<compile_context>
chip_gen: v7x
topology: tpu7x:2x2x1
jax: 0.10.2.dev20260603
libtpu: 0.0.44.dev20260713+nightly
codegen_flags: <defaults>
</compile_context>

<pallas_src>
import functools

import jax
import jax.numpy as jnp
from jax import lax
from jax.experimental import pallas as pl
from jax.experimental.pallas import tpu as pltpu
from jax.experimental.pallas import tpu_sc as plsc

N_NODES = 10000
N_EDGES = 320000
D = 128

NC = 2
NS = 16
NW = NC * NS
E_PER_W = N_EDGES // NW
CHUNK = 128
NFULL = E_PER_W // CHUNK
TAIL = E_PER_W - NFULL * CHUNK
NCHUNK = NFULL + 1
N_PAD = 10240
ROWS_PER_S = N_PAD // NS
DUMP_BASE = 10016

_sc_mesh = plsc.VectorSubcoreMesh(core_axis_name="c", subcore_axis_name="s")


@functools.partial(
    pl.kernel,
    out_type=(
        jax.ShapeDtypeStruct((NC, N_PAD, D), jnp.float32),
        jax.ShapeDtypeStruct((N_EDGES, D), jnp.float32),
    ),
    mesh=_sc_mesh,
    scratch_types=[
        pltpu.VMEM((NCHUNK, CHUNK), jnp.int32),
        pltpu.VMEM((2 * CHUNK, D), jnp.float32),
        pltpu.VMEM_SHARED((N_PAD, D), jnp.float32),
        pltpu.SemaphoreType.DMA, pltpu.SemaphoreType.DMA,
        pltpu.SemaphoreType.DMA, pltpu.SemaphoreType.DMA,
    ],
    cost_estimate=pl.CostEstimate(
        flops=0, transcendentals=0, bytes_accessed=520_000_000),
)
def _segsum_sc(efeat_hbm, dst_hbm, zeros_hbm, out_hbm, eout_hbm, idx_v, rows_v,
               agg_s, sl0, sl1, sw0, sw1):
    c = lax.axis_index("c")
    s = lax.axis_index("s")
    w = c * NS + s
    e_base = w * E_PER_W
    semL = (sl0, sl1)
    semW = (sw0, sw1)
    buf = lambda b: rows_v.at[pl.ds(b * CHUNK, CHUNK)]

    def load(j, b):
        pltpu.async_copy(efeat_hbm.at[pl.ds(e_base + j * CHUNK, CHUNK)],
                         buf(b), semL[b])

    def waitL(b):
        pltpu.make_async_copy(efeat_hbm.at[pl.ds(0, CHUNK)], buf(b),
                              semL[b]).wait()

    def scat(j, b):
        pltpu.sync_copy(buf(b), agg_s.at[idx_v.at[j]], add=True)

    def write(j, b):
        pltpu.async_copy(buf(b), eout_hbm.at[pl.ds(e_base + j * CHUNK, CHUNK)],
                         semW[b])

    def waitW(b):
        pltpu.make_async_copy(buf(b), eout_hbm.at[pl.ds(0, CHUNK)],
                              semW[b]).wait()

    load(0, 0)
    load(1, 1)
    pltpu.sync_copy(dst_hbm.at[w], idx_v)
    pltpu.sync_copy(zeros_hbm, agg_s.at[pl.ds(s * ROWS_PER_S, ROWS_PER_S)])
    plsc.subcore_barrier()

    def body(jj, carry):
        j = 2 * jj
        for b in range(2):
            waitL(b)
            write(j + b, b)
            scat(j + b, b)
            waitW(b)
            load(j + b + 2, b)
        return carry

    lax.fori_loop(0, (NFULL - 2) // 2, body, 0)
    tail_src = efeat_hbm.at[pl.ds(e_base + NFULL * CHUNK, TAIL)]
    tail_buf = rows_v.at[pl.ds(0, TAIL)]
    waitL(0)
    write(NFULL - 2, 0)
    scat(NFULL - 2, 0)
    waitW(0)
    pltpu.async_copy(tail_src, tail_buf, sl0)
    waitL(1)
    write(NFULL - 1, 1)
    scat(NFULL - 1, 1)
    waitW(1)
    pltpu.make_async_copy(tail_src, tail_buf, sl0).wait()
    pltpu.async_copy(tail_buf,
                     eout_hbm.at[pl.ds(e_base + NFULL * CHUNK, TAIL)], sw0)
    scat(NFULL, 0)
    pltpu.make_async_copy(tail_buf,
                          eout_hbm.at[pl.ds(0, TAIL)], sw0).wait()
    plsc.subcore_barrier()

    pltpu.sync_copy(
        agg_s.at[pl.ds(s * ROWS_PER_S, ROWS_PER_S)],
        out_hbm.at[c, pl.ds(s * ROWS_PER_S, ROWS_PER_S)],
    )


_ROW_BLK = 2000


def _mlp_body(parts_ref, nfeat_ref, w1_ref, b1_ref, w2_ref, b2_ref,
              gamma_ref, beta_ref, out_ref):
    agg = parts_ref[0] + parts_ref[1]
    n = nfeat_ref[...]
    h = jnp.dot(agg, w1_ref[:D], preferred_element_type=jnp.float32)
    h = h + jnp.dot(n, w1_ref[D:], preferred_element_type=jnp.float32)
    h = h + b1_ref[...]
    h = h * jax.nn.sigmoid(h)
    h2 = jnp.dot(h, w2_ref[...], preferred_element_type=jnp.float32) + b2_ref[...]
    mean = jnp.mean(h2, axis=-1, keepdims=True)
    var = jnp.mean((h2 - mean) ** 2, axis=-1, keepdims=True)
    y = (h2 - mean) * lax.rsqrt(var + 1e-5) * gamma_ref[...] + beta_ref[...]
    out_ref[...] = y + n


def _mlp_tc(parts, nfeat, w1, b1, w2, b2, gamma, beta):
    grid = (N_NODES // _ROW_BLK,)
    full = lambda shape: pl.BlockSpec(shape, lambda i: (0,) * len(shape))
    return pl.pallas_call(
        _mlp_body,
        grid=grid,
        in_specs=[
            pl.BlockSpec((NC, _ROW_BLK, D), lambda i: (0, i, 0)),
            pl.BlockSpec((_ROW_BLK, D), lambda i: (i, 0)),
            full((2 * D, D)), full((1, D)),
            full((D, D)), full((1, D)), full((1, D)), full((1, D)),
        ],
        out_specs=pl.BlockSpec((_ROW_BLK, D), lambda i: (i, 0)),
        out_shape=jax.ShapeDtypeStruct((N_NODES, D), jnp.float32),
    )(parts, nfeat, w1, b1, w2, b2, gamma, beta)


def kernel(efeat, nfeat, edge_index, W1, b1, W2, b2, ln_gamma, ln_beta):
    dst = edge_index[1].astype(jnp.int32).reshape(NW, E_PER_W)
    pad = DUMP_BASE + jnp.arange(NW, dtype=jnp.int32)[:, None]
    pad = jnp.broadcast_to(pad, (NW, NCHUNK * CHUNK - E_PER_W))
    idx = jnp.concatenate([dst, pad], axis=1).reshape(NW, NCHUNK, CHUNK)
    zeros = jnp.zeros((ROWS_PER_S, D), jnp.float32)
    parts, efeat_out = _segsum_sc(efeat, idx, zeros)
    nfeat_new = _mlp_tc(
        parts, nfeat,
        W1, b1.reshape(1, D),
        W2, b2.reshape(1, D),
        ln_gamma.reshape(1, D), ln_beta.reshape(1, D),
    )
    return (efeat_out, nfeat_new)

# --- scband reference (transcript-rebuilt; emitter-appended) ---
"""Pipeline reference for scband-node-block-dgl-42777874268720 (READ-ONLY COPY).

The authoritative reference and input builder live on the scoring server;
editing this copy changes nothing except your own understanding.
"""

import jax, jax.numpy as jnp
import numpy as np

N_NODES = 10000
N_EDGES = 320000
D_NODE = 128
D_EDGE = 128
D_HID = 128
D_OUT = 128


def setup_inputs(seed: int = 0) -> dict:
    key = jax.random.key(seed)
    ks = jax.random.split(key, 8)
    efeat = jax.random.normal(ks[0], (N_EDGES, D_EDGE), dtype=jnp.float32)
    nfeat = jax.random.normal(ks[1], (N_NODES, D_NODE), dtype=jnp.float32)
    edge_index = jax.random.randint(ks[2], (2, N_EDGES), 0, N_NODES, dtype=jnp.int64)
    d_in = D_NODE + D_EDGE
    W1 = jax.random.normal(ks[3], (d_in, D_HID), dtype=jnp.float32) / np.sqrt(d_in)
    b1 = jnp.zeros((D_HID,), dtype=jnp.float32)
    W2 = jax.random.normal(ks[4], (D_HID, D_OUT), dtype=jnp.float32) / np.sqrt(D_HID)
    b2 = jnp.zeros((D_OUT,), dtype=jnp.float32)
    ln_gamma = jnp.ones((D_OUT,), dtype=jnp.float32)
    ln_beta = jnp.zeros((D_OUT,), dtype=jnp.float32)
    return {"efeat": efeat, "nfeat": nfeat, "edge_index": edge_index,
            "W1": W1, "b1": b1, "W2": W2, "b2": b2,
            "ln_gamma": ln_gamma, "ln_beta": ln_beta}


def _layer_norm(x, gamma, beta, eps=1e-5):
    mean = jnp.mean(x, axis=-1, keepdims=True)
    var = jnp.var(x, axis=-1, keepdims=True)
    return (x - mean) / jnp.sqrt(var + eps) * gamma + beta


def reference(efeat, nfeat, edge_index, W1, b1, W2, b2, ln_gamma, ln_beta):
    # agg_concat_dgl with aggregation='sum': scatter-add edge features onto dst nodes,
    # then concat with node features.
    dst = edge_index[1]
    agg = jax.ops.segment_sum(efeat, dst, num_segments=N_NODES)
    cat_feat = jnp.concatenate([agg, nfeat], axis=-1)
    # MLP(input_dim=256, hidden_dim=128, hidden_layers=1, output_dim=128, SiLU, LayerNorm)
    h = jax.nn.silu(cat_feat @ W1 + b1)
    h = h @ W2 + b2
    h = _layer_norm(h, ln_gamma, ln_beta)
    nfeat_new = h + nfeat
    return (efeat, nfeat_new)

if __name__ == "__main__":
    import jax
    _d = setup_inputs()
    print(jax.jit(kernel)(*tuple(_d.values())))

</pallas_src>

<mosaic_0001>
#map = affine_map<(d0, d1) -> (0, 0)>
#map1 = affine_map<(d0, d1) -> (0, 0, 0)>
module attributes {stable_mosaic.version = 14 : i64} {
  func.func @_segsum_sc(%arg0: i32, %arg1: i32, %arg2: memref<320000x128xf32, #tpu.memory_space<hbm>>, %arg3: memref<32x79x128xi32, #tpu.memory_space<hbm>>, %arg4: memref<640x128xf32, #tpu.memory_space<hbm>>, %arg5: memref<2x10240x128xf32, #tpu.memory_space<hbm>>, %arg6: memref<320000x128xf32, #tpu.memory_space<hbm>>, %arg7: memref<79x128xi32, #tpu.memory_space<vmem>>, %arg8: memref<256x128xf32, #tpu.memory_space<vmem>>, %arg9: memref<10240x128xf32, #tpu.memory_space<vmem_shared>>, %arg10: memref<!tpu.dma_semaphore, #tpu.memory_space<semaphore_mem>>, %arg11: memref<!tpu.dma_semaphore, #tpu.memory_space<semaphore_mem>>, %arg12: memref<!tpu.dma_semaphore, #tpu.memory_space<semaphore_mem>>, %arg13: memref<!tpu.dma_semaphore, #tpu.memory_space<semaphore_mem>>) attributes {dimension_semantics = [#tpu.dimension_semantics<core_parallel>, #tpu.dimension_semantics<subcore_parallel>], iteration_bounds = array<i64: 2, 16>, scalar_prefetch = 0 : i64, scratch_operands = 7 : i64, tpu.core_type = #tpu.core_type<sc_vector_subcore>, window_params = [{transform_indices = #map}, {transform_indices = #map1}, {transform_indices = #map}, {transform_indices = #map1}, {transform_indices = #map}]} {
    %mul3A = arith.constant 16 : i32
    %mul3A_0 = arith.muli %arg0, %mul3A : i32
    %add3A = arith.addi %mul3A_0, %arg1 : i32
    %mul3A_1 = arith.constant 10000 : i32
    %mul3A_2 = arith.muli %add3A, %mul3A_1 : i32
    %add3A_3 = arith.constant 0 : i32
    %add3A_4 = arith.addi %mul3A_2, %add3A_3 : i32
    %dma_start3A = arith.constant 0 : i32
    %dma_start3A_5 = arith.constant 0 : i32
    %dma_start3A_6 = tpu.memref_slice %arg8[%dma_start3A, %dma_start3A_5] : memref<256x128xf32, #tpu.memory_space<vmem>> -> memref<128x128xf32, #tpu.memory_space<vmem>>
    %dma_start3A_7 = arith.constant 0 : i32
    %dma_start3A_8 = tpu.memref_slice %arg2[%add3A_4, %dma_start3A_7] : memref<320000x128xf32, #tpu.memory_space<hbm>> -> memref<128x128xf32, #tpu.memory_space<hbm>>
    %dma_start3A_9 = arith.constant 0 : i32
    %dma_start3A_10 = arith.constant 0 : i32
    %dma_start3A_11 = tpu.memref_slice %arg8[%dma_start3A_9, %dma_start3A_10] : memref<256x128xf32, #tpu.memory_space<vmem>> -> memref<128x128xf32, #tpu.memory_space<vmem>>
    %dma_start3A_12 = arith.constant 0 : i32
    %dma_start3A_13 = tpu.memref_slice %arg2[%add3A_4, %dma_start3A_12] : memref<320000x128xf32, #tpu.memory_space<hbm>> -> memref<128x128xf32, #tpu.memory_space<hbm>>
    tpu.enqueue_dma source(%dma_start3A_13 : memref<128x128xf32, #tpu.memory_space<hbm>>) target(%dma_start3A_11 : memref<128x128xf32, #tpu.memory_space<vmem>>) target_semaphore(%arg10 : memref<!tpu.dma_semaphore, #tpu.memory_space<semaphore_mem>>)
    %add3A_14 = arith.constant 128 : i32
    %add3A_15 = arith.addi %mul3A_2, %add3A_14 : i32
    %dma_start3A_16 = arith.constant 128 : i32
    %dma_start3A_17 = arith.constant 0 : i32
    %dma_start3A_18 = tpu.memref_slice %arg8[%dma_start3A_16, %dma_start3A_17] : memref<256x128xf32, #tpu.memory_space<vmem>> -> memref<128x128xf32, #tpu.memory_space<vmem>>
    %dma_start3A_19 = arith.constant 0 : i32
    %dma_start3A_20 = tpu.memref_slice %arg2[%add3A_15, %dma_start3A_19] : memref<320000x128xf32, #tpu.memory_space<hbm>> -> memref<128x128xf32, #tpu.memory_space<hbm>>
    %dma_start3A_21 = arith.constant 128 : i32
    %dma_start3A_22 = arith.constant 0 : i32
    %dma_start3A_23 = tpu.memref_slice %arg8[%dma_start3A_21, %dma_start3A_22] : memref<256x128xf32, #tpu.memory_space<vmem>> -> memref<128x128xf32, #tpu.memory_space<vmem>>
    %dma_start3A_24 = arith.constant 0 : i32
    %dma_start3A_25 = tpu.memref_slice %arg2[%add3A_15, %dma_start3A_24] : memref<320000x128xf32, #tpu.memory_space<hbm>> -> memref<128x128xf32, #tpu.memory_space<hbm>>
    tpu.enqueue_dma source(%dma_start3A_25 : memref<128x128xf32, #tpu.memory_space<hbm>>) target(%dma_start3A_23 : memref<128x128xf32, #tpu.memory_space<vmem>>) target_semaphore(%arg11 : memref<!tpu.dma_semaphore, #tpu.memory_space<semaphore_mem>>)
    "tpu.region"() ({
      %run_scoped3A_157 = tpu.sem_alloc : memref<!tpu.dma_semaphore, #tpu.memory_space<semaphore_mem>>
      %dma_start3A_158 = arith.constant 0 : i32
      %dma_start3A_159 = arith.constant 0 : i32
      %dma_start3A_160 = tpu.memref_slice %arg3[%add3A, %dma_start3A_158, %dma_start3A_159] : memref<32x79x128xi32, #tpu.memory_space<hbm>> -> memref<1x79x128xi32, #tpu.memory_space<hbm>>
      %dma_start3A_161 = tpu.memref_squeeze %dma_start3A_160 : memref<1x79x128xi32, #tpu.memory_space<hbm>> -> memref<79x128xi32, #tpu.memory_space<hbm>>
      %dma_start3A_162 = arith.constant 0 : i32
      %dma_start3A_163 = arith.constant 0 : i32
      %dma_start3A_164 = tpu.memref_slice %arg3[%add3A, %dma_start3A_162, %dma_start3A_163] : memref<32x79x128xi32, #tpu.memory_space<hbm>> -> memref<1x79x128xi32, #tpu.memory_space<hbm>>
      %dma_start3A_165 = tpu.memref_squeeze %dma_start3A_164 : memref<1x79x128xi32, #tpu.memory_space<hbm>> -> memref<79x128xi32, #tpu.memory_space<hbm>>
      tpu.enqueue_dma source(%dma_start3A_165 : memref<79x128xi32, #tpu.memory_space<hbm>>) target(%arg7 : memref<79x128xi32, #tpu.memory_space<vmem>>) target_semaphore(%run_scoped3A_157 : memref<!tpu.dma_semaphore, #tpu.memory_space<semaphore_mem>>)
      %dma_wait3A_166 = arith.constant 0 : i32
      %dma_wait3A_167 = arith.constant 0 : i32
      %dma_wait3A_168 = tpu.memref_slice %arg3[%add3A, %dma_wait3A_166, %dma_wait3A_167] : memref<32x79x128xi32, #tpu.memory_space<hbm>> -> memref<1x79x128xi32, #tpu.memory_space<hbm>>
      %dma_wait3A_169 = tpu.memref_squeeze %dma_wait3A_168 : memref<1x79x128xi32, #tpu.memory_space<hbm>> -> memref<79x128xi32, #tpu.memory_space<hbm>>
      %dma_wait3A_170 = arith.constant 0 : i32
      %dma_wait3A_171 = arith.constant 0 : i32
      %dma_wait3A_172 = tpu.memref_slice %arg3[%add3A, %dma_wait3A_170, %dma_wait3A_171] : memref<32x79x128xi32, #tpu.memory_space<hbm>> -> memref<1x79x128xi32, #tpu.memory_space<hbm>>
      %dma_wait3A_173 = tpu.memref_squeeze %dma_wait3A_172 : memref<1x79x128xi32, #tpu.memory_space<hbm>> -> memref<79x128xi32, #tpu.memory_space<hbm>>
      tpu.wait_dma2 semaphore(%run_scoped3A_157 : memref<!tpu.dma_semaphore, #tpu.memory_space<semaphore_mem>>) src(%dma_wait3A_173 : memref<79x128xi32, #tpu.memory_space<hbm>>) dst(%arg7 : memref<79x128xi32, #tpu.memory_space<vmem>>)
      tpu.yield
    }) : () -> ()
    %mul3A_26 = arith.constant 640 : i32
    %mul3A_27 = arith.muli %arg1, %mul3A_26 : i32
    "tpu.region"() ({
      %run_scoped3A_157 = tpu.sem_alloc : memref<!tpu.dma_semaphore, #tpu.memory_space<semaphore_mem>>
      %dma_start3A_158 = arith.constant 0 : i32
      %dma_start3A_159 = tpu.memref_slice %arg9[%mul3A_27, %dma_start3A_158] : memref<10240x128xf32, #tpu.memory_space<vmem_shared>> -> memref<640x128xf32, #tpu.memory_space<vmem_shared>>
      tpu.enqueue_dma source(%arg4 : memref<640x128xf32, #tpu.memory_space<hbm>>) target(%dma_start3A_159 : memref<640x128xf32, #tpu.memory_space<vmem_shared>>) target_semaphore(%run_scoped3A_157 : memref<!tpu.dma_semaphore, #tpu.memory_space<semaphore_mem>>)
      %dma_wait3A_160 = arith.constant 0 : i32
      %dma_wait3A_161 = tpu.memref_slice %arg9[%mul3A_27, %dma_wait3A_160] : memref<10240x128xf32, #tpu.memory_space<vmem_shared>> -> memref<640x128xf32, #tpu.memory_space<vmem_shared>>
      tpu.wait_dma2 semaphore(%run_scoped3A_157 : memref<!tpu.dma_semaphore, #tpu.memory_space<semaphore_mem>>) src(%arg4 : memref<640x128xf32, #tpu.memory_space<hbm>>) dst(%dma_wait3A_161 : memref<640x128xf32, #tpu.memory_space<vmem_shared>>)
      tpu.yield
    }) : () -> ()
    %barrier3A = arith.constant 0 : index
    tpu.barrier barrier_id(%barrier3A)
    %scan3A = arith.constant 0 : i32
    %scan3A_28 = arith.constant 0 : i32
    %scan3A_29 = arith.constant 38 : i32
    %scan3A_30 = arith.addi %scan3A_28, %scan3A_29 : i32
    %scan3A_31 = arith.constant 1 : i32
    scf.for %scan3A_157 = %scan3A_28 to %scan3A_30 step %scan3A_31  : i32 {
      %mul3A_158 = arith.constant 2 : i32
      %mul3A_159 = arith.muli %mul3A_158, %scan3A_157 : i32
      %dma_wait3A_160 = arith.constant 0 : i32
      %dma_wait3A_161 = arith.constant 0 : i32
      %dma_wait3A_162 = tpu.memref_slice %arg8[%dma_wait3A_160, %dma_wait3A_161] : memref<256x128xf32, #tpu.memory_space<vmem>> -> memref<128x128xf32, #tpu.memory_space<vmem>>
      %dma_wait3A_163 = arith.constant 0 : i32
      %dma_wait3A_164 = arith.constant 0 : i32
      %dma_wait3A_165 = tpu.memref_slice %arg2[%dma_wait3A_163, %dma_wait3A_164] : memref<320000x128xf32, #tpu.memory_space<hbm>> -> memref<128x128xf32, #tpu.memory_space<hbm>>
      %dma_wait3A_166 = arith.constant 0 : i32
      %dma_wait3A_167 = arith.constant 0 : i32
      %dma_wait3A_168 = tpu.memref_slice %arg8[%dma_wait3A_166, %dma_wait3A_167] : memref<256x128xf32, #tpu.memory_space<vmem>> -> memref<128x128xf32, #tpu.memory_space<vmem>>
      %dma_wait3A_169 = arith.constant 0 : i32
      %dma_wait3A_170 = arith.constant 0 : i32
      %dma_wait3A_171 = tpu.memref_slice %arg2[%dma_wait3A_169, %dma_wait3A_170] : memref<320000x128xf32, #tpu.memory_space<hbm>> -> memref<128x128xf32, #tpu.memory_space<hbm>>
      tpu.wait_dma2 semaphore(%arg10 : memref<!tpu.dma_semaphore, #tpu.memory_space<semaphore_mem>>) src(%dma_wait3A_171 : memref<128x128xf32, #tpu.memory_space<hbm>>) dst(%dma_wait3A_168 : memref<128x128xf32, #tpu.memory_space<vmem>>)
      %add3A_172 = arith.constant 0 : i32
      %add3A_173 = arith.addi %mul3A_159, %add3A_172 : i32
      %mul3A_174 = arith.constant 128 : i32
      %mul3A_175 = arith.muli %add3A_173, %mul3A_174 : i32
      %add3A_176 = arith.addi %mul3A_2, %mul3A_175 : i32
      %dma_start3A_177 = arith.constant 0 : i32
      %dma_start3A_178 = arith.constant 0 : i32
      %dma_start3A_179 = tpu.memref_slice %arg8[%dma_start3A_177, %dma_start3A_178] : memref<256x128xf32, #tpu.memory_space<vmem>> -> memref<128x128xf32, #tpu.memory_space<vmem>>
      %dma_start3A_180 = arith.constant 0 : i32
      %dma_start3A_181 = tpu.memref_slice %arg6[%add3A_176, %dma_start3A_180] : memref<320000x128xf32, #tpu.memory_space<hbm>> -> memref<128x128xf32, #tpu.memory_space<hbm>>
      %dma_start3A_182 = arith.constant 0 : i32
      %dma_start3A_183 = tpu.memref_slice %arg6[%add3A_176, %dma_start3A_182] : memref<320000x128xf32, #tpu.memory_space<hbm>> -> memref<128x128xf32, #tpu.memory_space<hbm>>
      %dma_start3A_184 = arith.constant 0 : i32
      %dma_start3A_185 = arith.constant 0 : i32
      %dma_start3A_186 = tpu.memref_slice %arg8[%dma_start3A_184, %dma_start3A_185] : memref<256x128xf32, #tpu.memory_space<vmem>> -> memref<128x128xf32, #tpu.memory_space<vmem>>
      tpu.enqueue_dma source(%dma_start3A_186 : memref<128x128xf32, #tpu.memory_space<vmem>>) target(%dma_start3A_183 : memref<128x128xf32, #tpu.memory_space<hbm>>) target_semaphore(%arg12 : memref<!tpu.dma_semaphore, #tpu.memory_space<semaphore_mem>>)
      %add3A_187 = arith.constant 0 : i32
      %add3A_188 = arith.addi %mul3A_159, %add3A_187 : i32
      "tpu.region"() ({
        %run_scoped3A_276 = tpu.sem_alloc : memref<!tpu.dma_semaphore, #tpu.memory_space<semaphore_mem>>
        %dma_start3A_277 = arith.constant 0 : i32
        %dma_start3A_278 = arith.constant 0 : i32
        %dma_start3A_279 = tpu.memref_slice %arg8[%dma_start3A_277, %dma_start3A_278] : memref<256x128xf32, #tpu.memory_space<vmem>> -> memref<128x128xf32, #tpu.memory_space<vmem>>
        %dma_start3A_280 = arith.constant 0 : i32
        %dma_start3A_281 = tpu.memref_slice %arg7[%add3A_188, %dma_start3A_280] : memref<79x128xi32, #tpu.memory_space<vmem>> -> memref<1x128xi32, #tpu.memory_space<vmem>>
        %dma_start3A_282 = tpu.memref_squeeze %dma_start3A_281 : memref<1x128xi32, #tpu.memory_space<vmem>> -> memref<128xi32, #tpu.memory_space<vmem>>
        %dma_start3A_283 = arith.constant 0 : i32
        %dma_start3A_284 = arith.constant 0 : i32
        %dma_start3A_285 = tpu.memref_slice %arg9[%dma_start3A_283, %dma_start3A_284] : memref<10240x128xf32, #tpu.memory_space<vmem_shared>> -> memref<10240x128xf32, #tpu.memory_space<vmem_shared>>
        tpu.enqueue_indirect_dma source(%dma_start3A_279 : memref<128x128xf32, #tpu.memory_space<vmem>>) target(%dma_start3A_285 : memref<10240x128xf32, #tpu.memory_space<vmem_shared>>) offsets(%dma_start3A_282 : memref<128xi32, #tpu.memory_space<vmem>>) semaphore(%run_scoped3A_276 : memref<!tpu.dma_semaphore, #tpu.memory_space<semaphore_mem>>) {add = true}
        %dma_wait3A_286 = arith.constant 0 : i32
        %dma_wait3A_287 = arith.constant 0 : i32
        %dma_wait3A_288 = tpu.memref_slice %arg8[%dma_wait3A_286, %dma_wait3A_287] : memref<256x128xf32, #tpu.memory_space<vmem>> -> memref<128x128xf32, #tpu.memory_space<vmem>>
        %dma_wait3A_289 = arith.constant 0 : i32
        %dma_wait3A_290 = tpu.memref_slice %arg7[%add3A_188, %dma_wait3A_289] : memref<79x128xi32, #tpu.memory_space<vmem>> -> memref<1x128xi32, #tpu.memory_space<vmem>>
        %dma_wait3A_291 = tpu.memref_squeeze %dma_wait3A_290 : memref<1x128xi32, #tpu.memory_space<vmem>> -> memref<128xi32, #tpu.memory_space<vmem>>
        %dma_wait3A_292 = arith.constant 0 : i32
        %dma_wait3A_293 = arith.constant 0 : i32
        %dma_wait3A_294 = tpu.memref_slice %arg9[%dma_wait3A_292, %dma_wait3A_293] : memref<10240x128xf32, #tpu.memory_space<vmem_shared>> -> memref<10240x128xf32, #tpu.memory_space<vmem_shared>>
        tpu.wait_indirect_dma semaphore(%run_scoped3A_276 : memref<!tpu.dma_semaphore, #tpu.memory_space<semaphore_mem>>) src(%dma_wait3A_288 : memref<128x128xf32, #tpu.memory_space<vmem>>) dst(%dma_wait3A_294 : memref<10240x128xf32, #tpu.memory_space<vmem_shared>>)
        tpu.yield
      }) : () -> ()
      %dma_wait3A_189 = arith.constant 0 : i32
      %dma_wait3A_190 = arith.constant 0 : i32
      %dma_wait3A_191 = tpu.memref_slice %arg8[%dma_wait3A_189, %dma_wait3A_190] : memref<256x128xf32, #tpu.memory_space<vmem>> -> memref<128x128xf32, #tpu.memory_space<vmem>>
      %dma_wait3A_192 = arith.constant 0 : i32
      %dma_wait3A_193 = arith.constant 0 : i32
      %dma_wait3A_194 = tpu.memref_slice %arg6[%dma_wait3A_192, %dma_wait3A_193] : memref<320000x128xf32, #tpu.memory_space<hbm>> -> memref<128x128xf32, #tpu.memory_space<hbm>>
      %dma_wait3A_195 = arith.constant 0 : i32
      %dma_wait3A_196 = arith.constant 0 : i32
      %dma_wait3A_197 = tpu.memref_slice %arg6[%dma_wait3A_195, %dma_wait3A_196] : memref<320000x128xf32, #tpu.memory_space<hbm>> -> memref<128x128xf32, #tpu.memory_space<hbm>>
      %dma_wait3A_198 = arith.constant 0 : i32
      %dma_wait3A_199 = arith.constant 0 : i32
      %dma_wait3A_200 = tpu.memref_slice %arg8[%dma_wait3A_198, %dma_wait3A_199] : memref<256x128xf32, #tpu.memory_space<vmem>> -> memref<128x128xf32, #tpu.memory_space<vmem>>
      tpu.wait_dma2 semaphore(%arg12 : memref<!tpu.dma_semaphore, #tpu.memory_space<semaphore_mem>>) src(%dma_wait3A_200 : memref<128x128xf32, #tpu.memory_space<vmem>>) dst(%dma_wait3A_197 : memref<128x128xf32, #tpu.memory_space<hbm>>)
      %add3A_201 = arith.constant 0 : i32
      %add3A_202 = arith.addi %mul3A_159, %add3A_201 : i32
      %add3A_203 = arith.constant 2 : i32
      %add3A_204 = arith.addi %add3A_202, %add3A_203 : i32
      %mul3A_205 = arith.constant 128 : i32
      %mul3A_206 = arith.muli %add3A_204, %mul3A_205 : i32
      %add3A_207 = arith.addi %mul3A_2, %mul3A_206 : i32
      %dma_start3A_208 = arith.constant 0 : i32
      %dma_start3A_209 = arith.constant 0 : i32
      %dma_start3A_210 = tpu.memref_slice %arg8[%dma_start3A_208, %dma_start3A_209] : memref<256x128xf32, #tpu.memory_space<vmem>> -> memref<128x128xf32, #tpu.memory_space<vmem>>
      %dma_start3A_211 = arith.constant 0 : i32
      %dma_start3A_212 = tpu.memref_slice %arg2[%add3A_207, %dma_start3A_211] : memref<320000x128xf32, #tpu.memory_space<hbm>> -> memref<128x128xf32, #tpu.memory_space<hbm>>
      %dma_start3A_213 = arith.constant 0 : i32
      %dma_start3A_214 = arith.constant 0 : i32
      %dma_start3A_215 = tpu.memref_slice %arg8[%dma_start3A_213, %dma_start3A_214] : memref<256x128xf32, #tpu.memory_space<vmem>> -> memref<128x128xf32, #tpu.memory_space<vmem>>
      %dma_start3A_216 = arith.constant 0 : i32
      %dma_start3A_217 = tpu.memref_slice %arg2[%add3A_207, %dma_start3A_216] : memref<320000x128xf32, #tpu.memory_space<hbm>> -> memref<128x128xf32, #tpu.memory_space<hbm>>
      tpu.enqueue_dma source(%dma_start3A_217 : memref<128x128xf32, #tpu.memory_space<hbm>>) target(%dma_start3A_215 : memref<128x128xf32, #tpu.memory_space<vmem>>) target_semaphore(%arg10 : memref<!tpu.dma_semaphore, #tpu.memory_space<semaphore_mem>>)
      %dma_wait3A_218 = arith.constant 128 : i32
      %dma_wait3A_219 = arith.constant 0 : i32
      %dma_wait3A_220 = tpu.memref_slice %arg8[%dma_wait3A_218, %dma_wait3A_219] : memref<256x128xf32, #tpu.memory_space<vmem>> -> memref<128x128xf32, #tpu.memory_space<vmem>>
      %dma_wait3A_221 = arith.constant 0 : i32
      %dma_wait3A_222 = arith.constant 0 : i32
      %dma_wait3A_223 = tpu.memref_slice %arg2[%dma_wait3A_221, %dma_wait3A_222] : memref<320000x128xf32, #tpu.memory_space<hbm>> -> memref<128x128xf32, #tpu.memory_space<hbm>>
      %dma_wait3A_224 = arith.constant 128 : i32
      %dma_wait3A_225 = arith.constant 0 : i32
      %dma_wait3A_226 = tpu.memref_slice %arg8[%dma_wait3A_224, %dma_wait3A_225] : memref<256x128xf32, #tpu.memory_space<vmem>> -> memref<128x128xf32, #tpu.memory_space<vmem>>
      %dma_wait3A_227 = arith.constant 0 : i32
      %dma_wait3A_228 = arith.constant 0 : i32
      %dma_wait3A_229 = tpu.memref_slice %arg2[%dma_wait3A_227, %dma_wait3A_228] : memref<320000x128xf32, #tpu.memory_space<hbm>> -> memref<128x128xf32, #tpu.memory_space<hbm>>
      tpu.wait_dma2 semaphore(%arg11 : memref<!tpu.dma_semaphore, #tpu.memory_space<semaphore_mem>>) src(%dma_wait3A_229 : memref<128x128xf32, #tpu.memory_space<hbm>>) dst(%dma_wait3A_226 : memref<128x128xf32, #tpu.memory_space<vmem>>)
      %add3A_230 = arith.constant 1 : i32
      %add3A_231 = arith.addi %mul3A_159, %add3A_230 : i32
      %mul3A_232 = arith.constant 128 : i32
      %mul3A_233 = arith.muli %add3A_231, %mul3A_232 : i32
      %add3A_234 = arith.addi %mul3A_2, %mul3A_233 : i32
      %dma_start3A_235 = arith.constant 128 : i32
      %dma_start3A_236 = arith.constant 0 : i32
      %dma_start3A_237 = tpu.memref_slice %arg8[%dma_start3A_235, %dma_start3A_236] : memref<256x128xf32, #tpu.memory_space<vmem>> -> memref<128x128xf32, #tpu.memory_space<vmem>>
      %dma_start3A_238 = arith.constant 0 : i32
      %dma_start3A_239 = tpu.memref_slice %arg6[%add3A_234, %dma_start3A_238] : memref<320000x128xf32, #tpu.memory_space<hbm>> -> memref<128x128xf32, #tpu.memory_space<hbm>>
      %dma_start3A_240 = arith.constant 0 : i32
      %dma_start3A_241 = tpu.memref_slice %arg6[%add3A_234, %dma_start3A_240] : memref<320000x128xf32, #tpu.memory_space<hbm>> -> memref<128x128xf32, #tpu.memory_space<hbm>>
      %dma_start3A_242 = arith.constant 128 : i32
      %dma_start3A_243 = arith.constant 0 : i32
      %dma_start3A_244 = tpu.memref_slice %arg8[%dma_start3A_242, %dma_start3A_243] : memref<256x128xf32, #tpu.memory_space<vmem>> -> memref<128x128xf32, #tpu.memory_space<vmem>>
      tpu.enqueue_dma source(%dma_start3A_244 : memref<128x128xf32, #tpu.memory_space<vmem>>) target(%dma_start3A_241 : memref<128x128xf32, #tpu.memory_space<hbm>>) target_semaphore(%arg13 : memref<!tpu.dma_semaphore, #tpu.memory_space<semaphore_mem>>)
      %add3A_245 = arith.constant 1 : i32
      %add3A_246 = arith.addi %mul3A_159, %add3A_245 : i32
      "tpu.region"() ({
        %run_scoped3A_276 = tpu.sem_alloc : memref<!tpu.dma_semaphore, #tpu.memory_space<semaphore_mem>>
        %dma_start3A_277 = arith.constant 128 : i32
        %dma_start3A_278 = arith.constant 0 : i32
        %dma_start3A_279 = tpu.memref_slice %arg8[%dma_start3A_277, %dma_start3A_278] : memref<256x128xf32, #tpu.memory_space<vmem>> -> memref<128x128xf32, #tpu.memory_space<vmem>>
        %dma_start3A_280 = arith.constant 0 : i32
        %dma_start3A_281 = tpu.memref_slice %arg7[%add3A_246, %dma_start3A_280] : memref<79x128xi32, #tpu.memory_space<vmem>> -> memref<1x128xi32, #tpu.memory_space<vmem>>
        %dma_start3A_282 = tpu.memref_squeeze %dma_start3A_281 : memref<1x128xi32, #tpu.memory_space<vmem>> -> memref<128xi32, #tpu.memory_space<vmem>>
        %dma_start3A_283 = arith.constant 0 : i32
        %dma_start3A_284 = arith.constant 0 : i32
        %dma_start3A_285 = tpu.memref_slice %arg9[%dma_start3A_283, %dma_start3A_284] : memref<10240x128xf32, #tpu.memory_space<vmem_shared>> -> memref<10240x128xf32, #tpu.memory_space<vmem_shared>>
        tpu.enqueue_indirect_dma source(%dma_start3A_279 : memref<128x128xf32, #tpu.memory_space<vmem>>) target(%dma_start3A_285 : memref<10240x128xf32, #tpu.memory_space<vmem_shared>>) offsets(%dma_start3A_282 : memref<128xi32, #tpu.memory_space<vmem>>) semaphore(%run_scoped3A_276 : memref<!tpu.dma_semaphore, #tpu.memory_space<semaphore_mem>>) {add = true}
        %dma_wait3A_286 = arith.constant 128 : i32
        %dma_wait3A_287 = arith.constant 0 : i32
        %dma_wait3A_288 = tpu.memref_slice %arg8[%dma_wait3A_286, %dma_wait3A_287] : memref<256x128xf32, #tpu.memory_space<vmem>> -> memref<128x128xf32, #tpu.memory_space<vmem>>
        %dma_wait3A_289 = arith.constant 0 : i32
        %dma_wait3A_290 = tpu.memref_slice %arg7[%add3A_246, %dma_wait3A_289] : memref<79x128xi32, #tpu.memory_space<vmem>> -> memref<1x128xi32, #tpu.memory_space<vmem>>
        %dma_wait3A_291 = tpu.memref_squeeze %dma_wait3A_290 : memref<1x128xi32, #tpu.memory_space<vmem>> -> memref<128xi32, #tpu.memory_space<vmem>>
        %dma_wait3A_292 = arith.constant 0 : i32
        %dma_wait3A_293 = arith.constant 0 : i32
        %dma_wait3A_294 = tpu.memref_slice %arg9[%dma_wait3A_292, %dma_wait3A_293] : memref<10240x128xf32, #tpu.memory_space<vmem_shared>> -> memref<10240x128xf32, #tpu.memory_space<vmem_shared>>
        tpu.wait_indirect_dma semaphore(%run_scoped3A_276 : memref<!tpu.dma_semaphore, #tpu.memory_space<semaphore_mem>>) src(%dma_wait3A_288 : memref<128x128xf32, #tpu.memory_space<vmem>>) dst(%dma_wait3A_294 : memref<10240x128xf32, #tpu.memory_space<vmem_shared>>)
        tpu.yield
      }) : () -> ()
      %dma_wait3A_247 = arith.constant 128 : i32
      %dma_wait3A_248 = arith.constant 0 : i32
      %dma_wait3A_249 = tpu.memref_slice %arg8[%dma_wait3A_247, %dma_wait3A_248] : memref<256x128xf32, #tpu.memory_space<vmem>> -> memref<128x128xf32, #tpu.memory_space<vmem>>
      %dma_wait3A_250 = arith.constant 0 : i32
      %dma_wait3A_251 = arith.constant 0 : i32
      %dma_wait3A_252 = tpu.memref_slice %arg6[%dma_wait3A_250, %dma_wait3A_251] : memref<320000x128xf32, #tpu.memory_space<hbm>> -> memref<128x128xf32, #tpu.memory_space<hbm>>
      %dma_wait3A_253 = arith.constant 0 : i32
      %dma_wait3A_254 = arith.constant 0 : i32
      %dma_wait3A_255 = tpu.memref_slice %arg6[%dma_wait3A_253, %dma_wait3A_254] : memref<320000x128xf32, #tpu.memory_space<hbm>> -> memref<128x128xf32, #tpu.memory_space<hbm>>
      %dma_wait3A_256 = arith.constant 128 : i32
      %dma_wait3A_257 = arith.constant 0 : i32
      %dma_wait3A_258 = tpu.memref_slice %arg8[%dma_wait3A_256, %dma_wait3A_257] : memref<256x128xf32, #tpu.memory_space<vmem>> -> memref<128x128xf32, #tpu.memory_space<vmem>>
      tpu.wait_dma2 semaphore(%arg13 : memref<!tpu.dma_semaphore, #tpu.memory_space<semaphore_mem>>) src(%dma_wait3A_258 : memref<128x128xf32, #tpu.memory_space<vmem>>) dst(%dma_wait3A_255 : memref<128x128xf32, #tpu.memory_space<hbm>>)
      %add3A_259 = arith.constant 1 : i32
      %add3A_260 = arith.addi %mul3A_159, %add3A_259 : i32
      %add3A_261 = arith.constant 2 : i32
      %add3A_262 = arith.addi %add3A_260, %add3A_261 : i32
      %mul3A_263 = arith.constant 128 : i32
      %mul3A_264 = arith.muli %add3A_262, %mul3A_263 : i32
      %add3A_265 = arith.addi %mul3A_2, %mul3A_264 : i32
      %dma_start3A_266 = arith.constant 128 : i32
      %dma_start3A_267 = arith.constant 0 : i32
      %dma_start3A_268 = tpu.memref_slice %arg8[%dma_start3A_266, %dma_start3A_267] : memref<256x128xf32, #tpu.memory_space<vmem>> -> memref<128x128xf32, #tpu.memory_space<vmem>>
      %dma_start3A_269 = arith.constant 0 : i32
      %dma_start3A_270 = tpu.memref_slice %arg2[%add3A_265, %dma_start3A_269] : memref<320000x128xf32, #tpu.memory_space<hbm>> -> memref<128x128xf32, #tpu.memory_space<hbm>>
      %dma_start3A_271 = arith.constant 128 : i32
      %dma_start3A_272 = arith.constant 0 : i32
      %dma_start3A_273 = tpu.memref_slice %arg8[%dma_start3A_271, %dma_start3A_272] : memref<256x128xf32, #tpu.memory_space<vmem>> -> memref<128x128xf32, #tpu.memory_space<vmem>>
      %dma_start3A_274 = arith.constant 0 : i32
      %dma_start3A_275 = tpu.memref_slice %arg2[%add3A_265, %dma_start3A_274] : memref<320000x128xf32, #tpu.memory_space<hbm>> -> memref<128x128xf32, #tpu.memory_space<hbm>>
      tpu.enqueue_dma source(%dma_start3A_275 : memref<128x128xf32, #tpu.memory_space<hbm>>) target(%dma_start3A_273 : memref<128x128xf32, #tpu.memory_space<vmem>>) target_semaphore(%arg11 : memref<!tpu.dma_semaphore, #tpu.memory_space<semaphore_mem>>)
    }
    %scan3A_32 = arith.constant 38 : i32
    %add3A_33 = arith.constant 9984 : i32
    %add3A_34 = arith.addi %mul3A_2, %add3A_33 : i32
    %dma_wait3A = arith.constant 0 : i32
    %dma_wait3A_35 = arith.constant 0 : i32
    %dma_wait3A_36 = tpu.memref_slice %arg8[%dma_wait3A, %dma_wait3A_35] : memref<256x128xf32, #tpu.memory_space<vmem>> -> memref<128x128xf32, #tpu.memory_space<vmem>>
    %dma_wait3A_37 = arith.constant 0 : i32
    %dma_wait3A_38 = arith.constant 0 : i32
    %dma_wait3A_39 = tpu.memref_slice %arg2[%dma_wait3A_37, %dma_wait3A_38] : memref<320000x128xf32, #tpu.memory_space<hbm>> -> memref<128x128xf32, #tpu.memory_space<hbm>>
    %dma_wait3A_40 = arith.constant 0 : i32
    %dma_wait3A_41 = arith.constant 0 : i32
    %dma_wait3A_42 = tpu.memref_slice %arg8[%dma_wait3A_40, %dma_wait3A_41] : memref<256x128xf32, #tpu.memory_space<vmem>> -> memref<128x128xf32, #tpu.memory_space<vmem>>
    %dma_wait3A_43 = arith.constant 0 : i32
    %dma_wait3A_44 = arith.constant 0 : i32
    %dma_wait3A_45 = tpu.memref_slice %arg2[%dma_wait3A_43, %dma_wait3A_44] : memref<320000x128xf32, #tpu.memory_space<hbm>> -> memref<128x128xf32, #tpu.memory_space<hbm>>
    tpu.wait_dma2 semaphore(%arg10 : memref<!tpu.dma_semaphore, #tpu.memory_space<semaphore_mem>>) src(%dma_wait3A_45 : memref<128x128xf32, #tpu.memory_space<hbm>>) dst(%dma_wait3A_42 : memref<128x128xf32, #tpu.memory_space<vmem>>)
    %add3A_46 = arith.constant 9728 : i32
    %add3A_47 = arith.addi %mul3A_2, %add3A_46 : i32
    %dma_start3A_48 = arith.constant 0 : i32
    %dma_start3A_49 = arith.constant 0 : i32
    %dma_start3A_50 = tpu.memref_slice %arg8[%dma_start3A_48, %dma_start3A_49] : memref<256x128xf32, #tpu.memory_space<vmem>> -> memref<128x128xf32, #tpu.memory_space<vmem>>
    %dma_start3A_51 = arith.constant 0 : i32
    %dma_start3A_52 = tpu.memref_slice %arg6[%add3A_47, %dma_start3A_51] : memref<320000x128xf32, #tpu.memory_space<hbm>> -> memref<128x128xf32, #tpu.memory_space<hbm>>
    %dma_start3A_53 = arith.constant 0 : i32
    %dma_start3A_54 = tpu.memref_slice %arg6[%add3A_47, %dma_start3A_53] : memref<320000x128xf32, #tpu.memory_space<hbm>> -> memref<128x128xf32, #tpu.memory_space<hbm>>
    %dma_start3A_55 = arith.constant 0 : i32
    %dma_start3A_56 = arith.constant 0 : i32
    %dma_start3A_57 = tpu.memref_slice %arg8[%dma_start3A_55, %dma_start3A_56] : memref<256x128xf32, #tpu.memory_space<vmem>> -> memref<128x128xf32, #tpu.memory_space<vmem>>
    tpu.enqueue_dma source(%dma_start3A_57 : memref<128x128xf32, #tpu.memory_space<vmem>>) target(%dma_start3A_54 : memref<128x128xf32, #tpu.memory_space<hbm>>) target_semaphore(%arg12 : memref<!tpu.dma_semaphore, #tpu.memory_space<semaphore_mem>>)
    %run_scoped3A = arith.constant 76 : i32
    "tpu.region"() ({
      %run_scoped3A_157 = tpu.sem_alloc : memref<!tpu.dma_semaphore, #tpu.memory_space<semaphore_mem>>
      %dma_start3A_158 = arith.constant 0 : i32
      %dma_start3A_159 = arith.constant 0 : i32
      %dma_start3A_160 = tpu.memref_slice %arg8[%dma_start3A_158, %dma_start3A_159] : memref<256x128xf32, #tpu.memory_space<vmem>> -> memref<128x128xf32, #tpu.memory_space<vmem>>
      %dma_start3A_161 = arith.constant 0 : i32
      %dma_start3A_162 = tpu.memref_slice %arg7[%run_scoped3A, %dma_start3A_161] : memref<79x128xi32, #tpu.memory_space<vmem>> -> memref<1x128xi32, #tpu.memory_space<vmem>>
      %dma_start3A_163 = tpu.memref_squeeze %dma_start3A_162 : memref<1x128xi32, #tpu.memory_space<vmem>> -> memref<128xi32, #tpu.memory_space<vmem>>
      %dma_start3A_164 = arith.constant 0 : i32
      %dma_start3A_165 = arith.constant 0 : i32
      %dma_start3A_166 = tpu.memref_slice %arg9[%dma_start3A_164, %dma_start3A_165] : memref<10240x128xf32, #tpu.memory_space<vmem_shared>> -> memref<10240x128xf32, #tpu.memory_space<vmem_shared>>
      tpu.enqueue_indirect_dma source(%dma_start3A_160 : memref<128x128xf32, #tpu.memory_space<vmem>>) target(%dma_start3A_166 : memref<10240x128xf32, #tpu.memory_space<vmem_shared>>) offsets(%dma_start3A_163 : memref<128xi32, #tpu.memory_space<vmem>>) semaphore(%run_scoped3A_157 : memref<!tpu.dma_semaphore, #tpu.memory_space<semaphore_mem>>) {add = true}
      %dma_wait3A_167 = arith.constant 0 : i32
      %dma_wait3A_168 = arith.constant 0 : i32
      %dma_wait3A_169 = tpu.memref_slice %arg8[%dma_wait3A_167, %dma_wait3A_168] : memref<256x128xf32, #tpu.memory_space<vmem>> -> memref<128x128xf32, #tpu.memory_space<vmem>>
      %dma_wait3A_170 = arith.constant 0 : i32
      %dma_wait3A_171 = tpu.memref_slice %arg7[%run_scoped3A, %dma_wait3A_170] : memref<79x128xi32, #tpu.memory_space<vmem>> -> memref<1x128xi32, #tpu.memory_space<vmem>>
      %dma_wait3A_172 = tpu.memref_squeeze %dma_wait3A_171 : memref<1x128xi32, #tpu.memory_space<vmem>> -> memref<128xi32, #tpu.memory_space<vmem>>
      %dma_wait3A_173 = arith.constant 0 : i32
      %dma_wait3A_174 = arith.constant 0 : i32
      %dma_wait3A_175 = tpu.memref_slice %arg9[%dma_wait3A_173, %dma_wait3A_174] : memref<10240x128xf32, #tpu.memory_space<vmem_shared>> -> memref<10240x128xf32, #tpu.memory_space<vmem_shared>>
      tpu.wait_indirect_dma semaphore(%run_scoped3A_157 : memref<!tpu.dma_semaphore, #tpu.memory_space<semaphore_mem>>) src(%dma_wait3A_169 : memref<128x128xf32, #tpu.memory_space<vmem>>) dst(%dma_wait3A_175 : memref<10240x128xf32, #tpu.memory_space<vmem_shared>>)
      tpu.yield
    }) : () -> ()
    %dma_wait3A_58 = arith.constant 0 : i32
    %dma_wait3A_59 = arith.constant 0 : i32
    %dma_wait3A_60 = tpu.memref_slice %arg8[%dma_wait3A_58, %dma_wait3A_59] : memref<256x128xf32, #tpu.memory_space<vmem>> -> memref<128x128xf32, #tpu.memory_space<vmem>>
    %dma_wait3A_61 = arith.constant 0 : i32
    %dma_wait3A_62 = arith.constant 0 : i32
    %dma_wait3A_63 = tpu.memref_slice %arg6[%dma_wait3A_61, %dma_wait3A_62] : memref<320000x128xf32, #tpu.memory_space<hbm>> -> memref<128x128xf32, #tpu.memory_space<hbm>>
    %dma_wait3A_64 = arith.constant 0 : i32
    %dma_wait3A_65 = arith.constant 0 : i32
    %dma_wait3A_66 = tpu.memref_slice %arg6[%dma_wait3A_64, %dma_wait3A_65] : memref<320000x128xf32, #tpu.memory_space<hbm>> -> memref<128x128xf32, #tpu.memory_space<hbm>>
    %dma_wait3A_67 = arith.constant 0 : i32
    %dma_wait3A_68 = arith.constant 0 : i32
    %dma_wait3A_69 = tpu.memref_slice %arg8[%dma_wait3A_67, %dma_wait3A_68] : memref<256x128xf32, #tpu.memory_space<vmem>> -> memref<128x128xf32, #tpu.memory_space<vmem>>
    tpu.wait_dma2 semaphore(%arg12 : memref<!tpu.dma_semaphore, #tpu.memory_space<semaphore_mem>>) src(%dma_wait3A_69 : memref<128x128xf32, #tpu.memory_space<vmem>>) dst(%dma_wait3A_66 : memref<128x128xf32, #tpu.memory_space<hbm>>)
    %dma_start3A_70 = arith.constant 0 : i32
    %dma_start3A_71 = arith.constant 0 : i32
    %dma_start3A_72 = tpu.memref_slice %arg8[%dma_start3A_70, %dma_start3A_71] : memref<256x128xf32, #tpu.memory_space<vmem>> -> memref<16x128xf32, #tpu.memory_space<vmem>>
    %dma_start3A_73 = arith.constant 0 : i32
    %dma_start3A_74 = tpu.memref_slice %arg2[%add3A_34, %dma_start3A_73] : memref<320000x128xf32, #tpu.memory_space<hbm>> -> memref<16x128xf32, #tpu.memory_space<hbm>>
    %dma_start3A_75 = arith.constant 0 : i32
    %dma_start3A_76 = arith.constant 0 : i32
    %dma_start3A_77 = tpu.memref_slice %arg8[%dma_start3A_75, %dma_start3A_76] : memref<256x128xf32, #tpu.memory_space<vmem>> -> memref<16x128xf32, #tpu.memory_space<vmem>>
    %dma_start3A_78 = arith.constant 0 : i32
    %dma_start3A_79 = tpu.memref_slice %arg2[%add3A_34, %dma_start3A_78] : memref<320000x128xf32, #tpu.memory_space<hbm>> -> memref<16x128xf32, #tpu.memory_space<hbm>>
    tpu.enqueue_dma source(%dma_start3A_79 : memref<16x128xf32, #tpu.memory_space<hbm>>) target(%dma_start3A_77 : memref<16x128xf32, #tpu.memory_space<vmem>>) target_semaphore(%arg10 : memref<!tpu.dma_semaphore, #tpu.memory_space<semaphore_mem>>)
    %dma_wait3A_80 = arith.constant 128 : i32
    %dma_wait3A_81 = arith.constant 0 : i32
    %dma_wait3A_82 = tpu.memref_slice %arg8[%dma_wait3A_80, %dma_wait3A_81] : memref<256x128xf32, #tpu.memory_space<vmem>> -> memref<128x128xf32, #tpu.memory_space<vmem>>
    %dma_wait3A_83 = arith.constant 0 : i32
    %dma_wait3A_84 = arith.constant 0 : i32
    %dma_wait3A_85 = tpu.memref_slice %arg2[%dma_wait3A_83, %dma_wait3A_84] : memref<320000x128xf32, #tpu.memory_space<hbm>> -> memref<128x128xf32, #tpu.memory_space<hbm>>
    %dma_wait3A_86 = arith.constant 128 : i32
    %dma_wait3A_87 = arith.constant 0 : i32
    %dma_wait3A_88 = tpu.memref_slice %arg8[%dma_wait3A_86, %dma_wait3A_87] : memref<256x128xf32, #tpu.memory_space<vmem>> -> memref<128x128xf32, #tpu.memory_space<vmem>>
    %dma_wait3A_89 = arith.constant 0 : i32
    %dma_wait3A_90 = arith.constant 0 : i32
    %dma_wait3A_91 = tpu.memref_slice %arg2[%dma_wait3A_89, %dma_wait3A_90] : memref<320000x128xf32, #tpu.memory_space<hbm>> -> memref<128x128xf32, #tpu.memory_space<hbm>>
    tpu.wait_dma2 semaphore(%arg11 : memref<!tpu.dma_semaphore, #tpu.memory_space<semaphore_mem>>) src(%dma_wait3A_91 : memref<128x128xf32, #tpu.memory_space<hbm>>) dst(%dma_wait3A_88 : memref<128x128xf32, #tpu.memory_space<vmem>>)
    %add3A_92 = arith.constant 9856 : i32
    %add3A_93 = arith.addi %mul3A_2, %add3A_92 : i32
    %dma_start3A_94 = arith.constant 128 : i32
    %dma_start3A_95 = arith.constant 0 : i32
    %dma_start3A_96 = tpu.memref_slice %arg8[%dma_start3A_94, %dma_start3A_95] : memref<256x128xf32, #tpu.memory_space<vmem>> -> memref<128x128xf32, #tpu.memory_space<vmem>>
    %dma_start3A_97 = arith.constant 0 : i32
    %dma_start3A_98 = tpu.memref_slice %arg6[%add3A_93, %dma_start3A_97] : memref<320000x128xf32, #tpu.memory_space<hbm>> -> memref<128x128xf32, #tpu.memory_space<hbm>>
    %dma_start3A_99 = arith.constant 0 : i32
    %dma_start3A_100 = tpu.memref_slice %arg6[%add3A_93, %dma_start3A_99] : memref<320000x128xf32, #tpu.memory_space<hbm>> -> memref<128x128xf32, #tpu.memory_space<hbm>>
    %dma_start3A_101 = arith.constant 128 : i32
    %dma_start3A_102 = arith.constant 0 : i32
    %dma_start3A_103 = tpu.memref_slice %arg8[%dma_start3A_101, %dma_start3A_102] : memref<256x128xf32, #tpu.memory_space<vmem>> -> memref<128x128xf32, #tpu.memory_space<vmem>>
    tpu.enqueue_dma source(%dma_start3A_103 : memref<128x128xf32, #tpu.memory_space<vmem>>) target(%dma_start3A_100 : memref<128x128xf32, #tpu.memory_space<hbm>>) target_semaphore(%arg13 : memref<!tpu.dma_semaphore, #tpu.memory_space<semaphore_mem>>)
    %run_scoped3A_104 = arith.constant 77 : i32
    "tpu.region"() ({
      %run_scoped3A_157 = tpu.sem_alloc : memref<!tpu.dma_semaphore, #tpu.memory_space<semaphore_mem>>
      %dma_start3A_158 = arith.constant 128 : i32
      %dma_start3A_159 = arith.constant 0 : i32
      %dma_start3A_160 = tpu.memref_slice %arg8[%dma_start3A_158, %dma_start3A_159] : memref<256x128xf32, #tpu.memory_space<vmem>> -> memref<128x128xf32, #tpu.memory_space<vmem>>
      %dma_start3A_161 = arith.constant 0 : i32
      %dma_start3A_162 = tpu.memref_slice %arg7[%run_scoped3A_104, %dma_start3A_161] : memref<79x128xi32, #tpu.memory_space<vmem>> -> memref<1x128xi32, #tpu.memory_space<vmem>>
      %dma_start3A_163 = tpu.memref_squeeze %dma_start3A_162 : memref<1x128xi32, #tpu.memory_space<vmem>> -> memref<128xi32, #tpu.memory_space<vmem>>
      %dma_start3A_164 = arith.constant 0 : i32
      %dma_start3A_165 = arith.constant 0 : i32
      %dma_start3A_166 = tpu.memref_slice %arg9[%dma_start3A_164, %dma_start3A_165] : memref<10240x128xf32, #tpu.memory_space<vmem_shared>> -> memref<10240x128xf32, #tpu.memory_space<vmem_shared>>
      tpu.enqueue_indirect_dma source(%dma_start3A_160 : memref<128x128xf32, #tpu.memory_space<vmem>>) target(%dma_start3A_166 : memref<10240x128xf32, #tpu.memory_space<vmem_shared>>) offsets(%dma_start3A_163 : memref<128xi32, #tpu.memory_space<vmem>>) semaphore(%run_scoped3A_157 : memref<!tpu.dma_semaphore, #tpu.memory_space<semaphore_mem>>) {add = true}
      %dma_wait3A_167 = arith.constant 128 : i32
      %dma_wait3A_168 = arith.constant 0 : i32
      %dma_wait3A_169 = tpu.memref_slice %arg8[%dma_wait3A_167, %dma_wait3A_168] : memref<256x128xf32, #tpu.memory_space<vmem>> -> memref<128x128xf32, #tpu.memory_space<vmem>>
      %dma_wait3A_170 = arith.constant 0 : i32
      %dma_wait3A_171 = tpu.memref_slice %arg7[%run_scoped3A_104, %dma_wait3A_170] : memref<79x128xi32, #tpu.memory_space<vmem>> -> memref<1x128xi32, #tpu.memory_space<vmem>>
      %dma_wait3A_172 = tpu.memref_squeeze %dma_wait3A_171 : memref<1x128xi32, #tpu.memory_space<vmem>> -> memref<128xi32, #tpu.memory_space<vmem>>
      %dma_wait3A_173 = arith.constant 0 : i32
      %dma_wait3A_174 = arith.constant 0 : i32
      %dma_wait3A_175 = tpu.memref_slice %arg9[%dma_wait3A_173, %dma_wait3A_174] : memref<10240x128xf32, #tpu.memory_space<vmem_shared>> -> memref<10240x128xf32, #tpu.memory_space<vmem_shared>>
      tpu.wait_indirect_dma semaphore(%run_scoped3A_157 : memref<!tpu.dma_semaphore, #tpu.memory_space<semaphore_mem>>) src(%dma_wait3A_169 : memref<128x128xf32, #tpu.memory_space<vmem>>) dst(%dma_wait3A_175 : memref<10240x128xf32, #tpu.memory_space<vmem_shared>>)
      tpu.yield
    }) : () -> ()
    %dma_wait3A_105 = arith.constant 128 : i32
    %dma_wait3A_106 = arith.constant 0 : i32
    %dma_wait3A_107 = tpu.memref_slice %arg8[%dma_wait3A_105, %dma_wait3A_106] : memref<256x128xf32, #tpu.memory_space<vmem>> -> memref<128x128xf32, #tpu.memory_space<vmem>>
    %dma_wait3A_108 = arith.constant 0 : i32
    %dma_wait3A_109 = arith.constant 0 : i32
    %dma_wait3A_110 = tpu.memref_slice %arg6[%dma_wait3A_108, %dma_wait3A_109] : memref<320000x128xf32, #tpu.memory_space<hbm>> -> memref<128x128xf32, #tpu.memory_space<hbm>>
    %dma_wait3A_111 = arith.constant 0 : i32
    %dma_wait3A_112 = arith.constant 0 : i32
    %dma_wait3A_113 = tpu.memref_slice %arg6[%dma_wait3A_111, %dma_wait3A_112] : memref<320000x128xf32, #tpu.memory_space<hbm>> -> memref<128x128xf32, #tpu.memory_space<hbm>>
    %dma_wait3A_114 = arith.constant 128 : i32
    %dma_wait3A_115 = arith.constant 0 : i32
    %dma_wait3A_116 = tpu.memref_slice %arg8[%dma_wait3A_114, %dma_wait3A_115] : memref<256x128xf32, #tpu.memory_space<vmem>> -> memref<128x128xf32, #tpu.memory_space<vmem>>
    tpu.wait_dma2 semaphore(%arg13 : memref<!tpu.dma_semaphore, #tpu.memory_space<semaphore_mem>>) src(%dma_wait3A_116 : memref<128x128xf32, #tpu.memory_space<vmem>>) dst(%dma_wait3A_113 : memref<128x128xf32, #tpu.memory_space<hbm>>)
    %dma_wait3A_117 = arith.constant 0 : i32
    %dma_wait3A_118 = arith.constant 0 : i32
    %dma_wait3A_119 = tpu.memref_slice %arg8[%dma_wait3A_117, %dma_wait3A_118] : memref<256x128xf32, #tpu.memory_space<vmem>> -> memref<16x128xf32, #tpu.memory_space<vmem>>
    %dma_wait3A_120 = arith.constant 0 : i32
    %dma_wait3A_121 = tpu.memref_slice %arg2[%add3A_34, %dma_wait3A_120] : memref<320000x128xf32, #tpu.memory_space<hbm>> -> memref<16x128xf32, #tpu.memory_space<hbm>>
    %dma_wait3A_122 = arith.constant 0 : i32
    %dma_wait3A_123 = arith.constant 0 : i32
    %dma_wait3A_124 = tpu.memref_slice %arg8[%dma_wait3A_122, %dma_wait3A_123] : memref<256x128xf32, #tpu.memory_space<vmem>> -> memref<16x128xf32, #tpu.memory_space<vmem>>
    %dma_wait3A_125 = arith.constant 0 : i32
    %dma_wait3A_126 = tpu.memref_slice %arg2[%add3A_34, %dma_wait3A_125] : memref<320000x128xf32, #tpu.memory_space<hbm>> -> memref<16x128xf32, #tpu.memory_space<hbm>>
    tpu.wait_dma2 semaphore(%arg10 : memref<!tpu.dma_semaphore, #tpu.memory_space<semaphore_mem>>) src(%dma_wait3A_126 : memref<16x128xf32, #tpu.memory_space<hbm>>) dst(%dma_wait3A_124 : memref<16x128xf32, #tpu.memory_space<vmem>>)
    %add3A_127 = arith.constant 9984 : i32
    %add3A_128 = arith.addi %mul3A_2, %add3A_127 : i32
    %dma_start3A_129 = arith.constant 0 : i32
    %dma_start3A_130 = arith.constant 0 : i32
    %dma_start3A_131 = tpu.memref_slice %arg8[%dma_start3A_129, %dma_start3A_130] : memref<256x128xf32, #tpu.memory_space<vmem>> -> memref<16x128xf32, #tpu.memory_space<vmem>>
    %dma_start3A_132 = arith.constant 0 : i32
    %dma_start3A_133 = tpu.memref_slice %arg6[%add3A_128, %dma_start3A_132] : memref<320000x128xf32, #tpu.memory_space<hbm>> -> memref<16x128xf32, #tpu.memory_space<hbm>>
    %dma_start3A_134 = arith.constant 0 : i32
    %dma_start3A_135 = tpu.memref_slice %arg6[%add3A_128, %dma_start3A_134] : memref<320000x128xf32, #tpu.memory_space<hbm>> -> memref<16x128xf32, #tpu.memory_space<hbm>>
    %dma_start3A_136 = arith.constant 0 : i32
    %dma_start3A_137 = arith.constant 0 : i32
    %dma_start3A_138 = tpu.memref_slice %arg8[%dma_start3A_136, %dma_start3A_137] : memref<256x128xf32, #tpu.memory_space<vmem>> -> memref<16x128xf32, #tpu.memory_space<vmem>>
    tpu.enqueue_dma source(%dma_start3A_138 : memref<16x128xf32, #tpu.memory_space<vmem>>) target(%dma_start3A_135 : memref<16x128xf32, #tpu.memory_space<hbm>>) target_semaphore(%arg12 : memref<!tpu.dma_semaphore, #tpu.memory_space<semaphore_mem>>)
    %run_scoped3A_139 = arith.constant 78 : i32
    "tpu.region"() ({
      %run_scoped3A_157 = tpu.sem_alloc : memref<!tpu.dma_semaphore, #tpu.memory_space<semaphore_mem>>
      %dma_start3A_158 = arith.constant 0 : i32
      %dma_start3A_159 = arith.constant 0 : i32
      %dma_start3A_160 = tpu.memref_slice %arg8[%dma_start3A_158, %dma_start3A_159] : memref<256x128xf32, #tpu.memory_space<vmem>> -> memref<128x128xf32, #tpu.memory_space<vmem>>
      %dma_start3A_161 = arith.constant 0 : i32
      %dma_start3A_162 = tpu.memref_slice %arg7[%run_scoped3A_139, %dma_start3A_161] : memref<79x128xi32, #tpu.memory_space<vmem>> -> memref<1x128xi32, #tpu.memory_space<vmem>>
      %dma_start3A_163 = tpu.memref_squeeze %dma_start3A_162 : memref<1x128xi32, #tpu.memory_space<vmem>> -> memref<128xi32, #tpu.memory_space<vmem>>
      %dma_start3A_164 = arith.constant 0 : i32
      %dma_start3A_165 = arith.constant 0 : i32
      %dma_start3A_166 = tpu.memref_slice %arg9[%dma_start3A_164, %dma_start3A_165] : memref<10240x128xf32, #tpu.memory_space<vmem_shared>> -> memref<10240x128xf32, #tpu.memory_space<vmem_shared>>
      tpu.enqueue_indirect_dma source(%dma_start3A_160 : memref<128x128xf32, #tpu.memory_space<vmem>>) target(%dma_start3A_166 : memref<10240x128xf32, #tpu.memory_space<vmem_shared>>) offsets(%dma_start3A_163 : memref<128xi32, #tpu.memory_space<vmem>>) semaphore(%run_scoped3A_157 : memref<!tpu.dma_semaphore, #tpu.memory_space<semaphore_mem>>) {add = true}
      %dma_wait3A_167 = arith.constant 0 : i32
      %dma_wait3A_168 = arith.constant 0 : i32
      %dma_wait3A_169 = tpu.memref_slice %arg8[%dma_wait3A_167, %dma_wait3A_168] : memref<256x128xf32, #tpu.memory_space<vmem>> -> memref<128x128xf32, #tpu.memory_space<vmem>>
      %dma_wait3A_170 = arith.constant 0 : i32
      %dma_wait3A_171 = tpu.memref_slice %arg7[%run_scoped3A_139, %dma_wait3A_170] : memref<79x128xi32, #tpu.memory_space<vmem>> -> memref<1x128xi32, #tpu.memory_space<vmem>>
      %dma_wait3A_172 = tpu.memref_squeeze %dma_wait3A_171 : memref<1x128xi32, #tpu.memory_space<vmem>> -> memref<128xi32, #tpu.memory_space<vmem>>
      %dma_wait3A_173 = arith.constant 0 : i32
      %dma_wait3A_174 = arith.constant 0 : i32
      %dma_wait3A_175 = tpu.memref_slice %arg9[%dma_wait3A_173, %dma_wait3A_174] : memref<10240x128xf32, #tpu.memory_space<vmem_shared>> -> memref<10240x128xf32, #tpu.memory_space<vmem_shared>>
      tpu.wait_indirect_dma semaphore(%run_scoped3A_157 : memref<!tpu.dma_semaphore, #tpu.memory_space<semaphore_mem>>) src(%dma_wait3A_169 : memref<128x128xf32, #tpu.memory_space<vmem>>) dst(%dma_wait3A_175 : memref<10240x128xf32, #tpu.memory_space<vmem_shared>>)
      tpu.yield
    }) : () -> ()
    %dma_wait3A_140 = arith.constant 0 : i32
    %dma_wait3A_141 = arith.constant 0 : i32
    %dma_wait3A_142 = tpu.memref_slice %arg8[%dma_wait3A_140, %dma_wait3A_141] : memref<256x128xf32, #tpu.memory_space<vmem>> -> memref<16x128xf32, #tpu.memory_space<vmem>>
    %dma_wait3A_143 = arith.constant 0 : i32
    %dma_wait3A_144 = arith.constant 0 : i32
    %dma_wait3A_145 = tpu.memref_slice %arg6[%dma_wait3A_143, %dma_wait3A_144] : memref<320000x128xf32, #tpu.memory_space<hbm>> -> memref<16x128xf32, #tpu.memory_space<hbm>>
    %dma_wait3A_146 = arith.constant 0 : i32
    %dma_wait3A_147 = arith.constant 0 : i32
    %dma_wait3A_148 = tpu.memref_slice %arg6[%dma_wait3A_146, %dma_wait3A_147] : memref<320000x128xf32, #tpu.memory_space<hbm>> -> memref<16x128xf32, #tpu.memory_space<hbm>>
    %dma_wait3A_149 = arith.constant 0 : i32
    %dma_wait3A_150 = arith.constant 0 : i32
    %dma_wait3A_151 = tpu.memref_slice %arg8[%dma_wait3A_149, %dma_wait3A_150] : memref<256x128xf32, #tpu.memory_space<vmem>> -> memref<16x128xf32, #tpu.memory_space<vmem>>
    tpu.wait_dma2 semaphore(%arg12 : memref<!tpu.dma_semaphore, #tpu.memory_space<semaphore_mem>>) src(%dma_wait3A_151 : memref<16x128xf32, #tpu.memory_space<vmem>>) dst(%dma_wait3A_148 : memref<16x128xf32, #tpu.memory_space<hbm>>)
    %barrier3A_152 = arith.constant 0 : index
    tpu.barrier barrier_id(%barrier3A_152)
    %mul3A_153 = arith.constant 640 : i32
    %mul3A_154 = arith.muli %arg1, %mul3A_153 : i32
    %mul3A_155 = arith.constant 640 : i32
    %mul3A_156 = arith.muli %arg1, %mul3A_155 : i32
    "tpu.region"() ({
      %run_scoped3A_157 = tpu.sem_alloc : memref<!tpu.dma_semaphore, #tpu.memory_space<semaphore_mem>>
      %dma_start3A_158 = arith.constant 0 : i32
      %dma_start3A_159 = tpu.memref_slice %arg5[%arg0, %mul3A_156, %dma_start3A_158] : memref<2x10240x128xf32, #tpu.memory_space<hbm>> -> memref<1x640x128xf32, #tpu.memory_space<hbm>>
      %dma_start3A_160 = tpu.memref_squeeze %dma_start3A_159 : memref<1x640x128xf32, #tpu.memory_space<hbm>> -> memref<640x128xf32, #tpu.memory_space<hbm>>
      %dma_start3A_161 = arith.constant 0 : i32
      %dma_start3A_162 = tpu.memref_slice %arg9[%mul3A_154, %dma_start3A_161] : memref<10240x128xf32, #tpu.memory_space<vmem_shared>> -> memref<640x128xf32, #tpu.memory_space<vmem_shared>>
      tpu.enqueue_dma source(%dma_start3A_162 : memref<640x128xf32, #tpu.memory_space<vmem_shared>>) target(%dma_start3A_160 : memref<640x128xf32, #tpu.memory_space<hbm>>) target_semaphore(%run_scoped3A_157 : memref<!tpu.dma_semaphore, #tpu.memory_space<semaphore_mem>>)
      %dma_wait3A_163 = arith.constant 0 : i32
      %dma_wait3A_164 = tpu.memref_slice %arg5[%arg0, %mul3A_156, %dma_wait3A_163] : memref<2x10240x128xf32, #tpu.memory_space<hbm>> -> memref<1x640x128xf32, #tpu.memory_space<hbm>>
      %dma_wait3A_165 = tpu.memref_squeeze %dma_wait3A_164 : memref<1x640x128xf32, #tpu.memory_space<hbm>> -> memref<640x128xf32, #tpu.memory_space<hbm>>
      %dma_wait3A_166 = arith.constant 0 : i32
      %dma_wait3A_167 = tpu.memref_slice %arg9[%mul3A_154, %dma_wait3A_166] : memref<10240x128xf32, #tpu.memory_space<vmem_shared>> -> memref<640x128xf32, #tpu.memory_space<vmem_shared>>
      tpu.wait_dma2 semaphore(%run_scoped3A_157 : memref<!tpu.dma_semaphore, #tpu.memory_space<semaphore_mem>>) src(%dma_wait3A_167 : memref<640x128xf32, #tpu.memory_space<vmem_shared>>) dst(%dma_wait3A_165 : memref<640x128xf32, #tpu.memory_space<hbm>>)
      tpu.yield
    }) : () -> ()
    return
  }
}

module attributes {stable_mosaic.version = 14 : i64} {
  func.func @_mlp_body(%arg0: i32, %arg1: memref<2x2000x128xf32, #tpu.memory_space<vmem>>, %arg2: memref<2000x128xf32, #tpu.memory_space<vmem>>, %arg3: memref<256x128xf32, #tpu.memory_space<vmem>>, %arg4: memref<1x128xf32, #tpu.memory_space<vmem>>, %arg5: memref<128x128xf32, #tpu.memory_space<vmem>>, %arg6: memref<1x128xf32, #tpu.memory_space<vmem>>, %arg7: memref<1x128xf32, #tpu.memory_space<vmem>>, %arg8: memref<1x128xf32, #tpu.memory_space<vmem>>, %arg9: memref<2000x128xf32, #tpu.memory_space<vmem>>) attributes {dimension_semantics = [#tpu.dimension_semantics<arbitrary>], iteration_bounds = array<i64: 5>, scalar_prefetch = 0 : i64, scratch_operands = 0 : i64, tpu.core_type = #tpu.core_type<tc>, window_params = [{transform_indices = @transform_0, window_bounds = array<i64: 2, 2000, 128>}, {transform_indices = @transform_1, window_bounds = array<i64: 2000, 128>}, {pipeline_mode = #tpu.pipeline_mode<synchronous>, transform_indices = @transform_2, window_bounds = array<i64: 256, 128>}, {pipeline_mode = #tpu.pipeline_mode<synchronous>, transform_indices = @transform_3, window_bounds = array<i64: 1, 128>}, {pipeline_mode = #tpu.pipeline_mode<synchronous>, transform_indices = @transform_4, window_bounds = array<i64: 128, 128>}, {pipeline_mode = #tpu.pipeline_mode<synchronous>, transform_indices = @transform_5, window_bounds = array<i64: 1, 128>}, {pipeline_mode = #tpu.pipeline_mode<synchronous>, transform_indices = @transform_6, window_bounds = array<i64: 1, 128>}, {pipeline_mode = #tpu.pipeline_mode<synchronous>, transform_indices = @transform_7, window_bounds = array<i64: 1, 128>}, {transform_indices = @transform_8, window_bounds = array<i64: 2000, 128>}]} {
    %get3A = arith.constant 0 : index
    %get3A_0 = arith.constant 0 : index
    %get3A_1 = arith.constant 0 : index
    %get3A_2 = vector.load %arg1[%get3A, %get3A_0, %get3A_1] : memref<2x2000x128xf32, #tpu.memory_space<vmem>>, vector<1x2000x128xf32>
    %get3A_3 = vector.shape_cast %get3A_2 : vector<1x2000x128xf32> to vector<2000x128xf32>
    %get3A_4 = arith.constant 1 : index
    %get3A_5 = arith.constant 0 : index
    %get3A_6 = arith.constant 0 : index
    %get3A_7 = vector.load %arg1[%get3A_4, %get3A_5, %get3A_6] : memref<2x2000x128xf32, #tpu.memory_space<vmem>>, vector<1x2000x128xf32>
    %get3A_8 = vector.shape_cast %get3A_7 : vector<1x2000x128xf32> to vector<2000x128xf32>
    %add3A = arith.addf %get3A_3, %get3A_8 : vector<2000x128xf32>
    %get3A_9 = arith.constant 0 : index
    %get3A_10 = arith.constant 0 : index
    %get3A_11 = vector.load %arg2[%get3A_9, %get3A_10] : memref<2000x128xf32, #tpu.memory_space<vmem>>, vector<2000x128xf32>
    %get3A_12 = arith.constant 0 : index
    %get3A_13 = arith.constant 0 : index
    %get3A_14 = vector.load %arg3[%get3A_12, %get3A_13] : memref<256x128xf32, #tpu.memory_space<vmem>>, vector<128x128xf32>
    %dot_general3A = arith.constant dense<0.000000e+00> : vector<2000x128xf32>
    %dot_general3A_15 = tpu.matmul %add3A, %get3A_14, %dot_general3A {dimension_numbers = #tpu.dot_dimension_numbers<[1], [0], [0], [1], [0, 0, 1, 1], [], []>, transpose_lhs_hint = false} : vector<2000x128xf32>, vector<128x128xf32>, vector<2000x128xf32> -> vector<2000x128xf32>
    %get3A_16 = arith.constant 128 : index
    %get3A_17 = arith.constant 0 : index
    %get3A_18 = vector.load %arg3[%get3A_16, %get3A_17] : memref<256x128xf32, #tpu.memory_space<vmem>>, vector<128x128xf32>
    %dot_general3A_19 = arith.constant dense<0.000000e+00> : vector<2000x128xf32>
    %dot_general3A_20 = tpu.matmul %get3A_11, %get3A_18, %dot_general3A_19 {dimension_numbers = #tpu.dot_dimension_numbers<[1], [0], [0], [1], [0, 0, 1, 1], [], []>, transpose_lhs_hint = false} : vector<2000x128xf32>, vector<128x128xf32>, vector<2000x128xf32> -> vector<2000x128xf32>
    %add3A_21 = arith.addf %dot_general3A_15, %dot_general3A_20 : vector<2000x128xf32>
    %get3A_22 = arith.constant 0 : index
    %get3A_23 = arith.constant 0 : index
    %get3A_24 = vector.load %arg4[%get3A_22, %get3A_23] : memref<1x128xf32, #tpu.memory_space<vmem>>, vector<1x128xf32>
    %add3A_25 = vector.broadcast %get3A_24 : vector<1x128xf32> to vector<2000x128xf32>
    %add3A_26 = arith.addf %add3A_21, %add3A_25 : vector<2000x128xf32>
    %logistic3A = arith.negf %add3A_26 : vector<2000x128xf32>
    %logistic3A_27 = math.exp %logistic3A : vector<2000x128xf32>
    %logistic3A_28 = arith.constant 1.000000e+00 : f32
    %logistic3A_29 = vector.broadcast %logistic3A_28 : f32 to vector<2000x128xf32>
    %logistic3A_30 = arith.addf %logistic3A_29, %logistic3A_27 : vector<2000x128xf32>
    %logistic3A_31 = arith.divf %logistic3A_29, %logistic3A_30 : vector<2000x128xf32>
    %mul3A = arith.mulf %add3A_26, %logistic3A_31 : vector<2000x128xf32>
    %get3A_32 = arith.constant 0 : index
    %get3A_33 = arith.constant 0 : index
    %get3A_34 = vector.load %arg5[%get3A_32, %get3A_33] : memref<128x128xf32, #tpu.memory_space<vmem>>, vector<128x128xf32>
    %dot_general3A_35 = arith.constant dense<0.000000e+00> : vector<2000x128xf32>
    %dot_general3A_36 = tpu.matmul %mul3A, %get3A_34, %dot_general3A_35 {dimension_numbers = #tpu.dot_dimension_numbers<[1], [0], [0], [1], [0, 0, 1, 1], [], []>, transpose_lhs_hint = false} : vector<2000x128xf32>, vector<128x128xf32>, vector<2000x128xf32> -> vector<2000x128xf32>
    %get3A_37 = arith.constant 0 : index
    %get3A_38 = arith.constant 0 : index
    %get3A_39 = vector.load %arg6[%get3A_37, %get3A_38] : memref<1x128xf32, #tpu.memory_space<vmem>>, vector<1x128xf32>
    %add3A_40 = vector.broadcast %get3A_39 : vector<1x128xf32> to vector<2000x128xf32>
    %add3A_41 = arith.addf %dot_general3A_36, %add3A_40 : vector<2000x128xf32>
    %reduce_sum3A = arith.constant dense<0.000000e+00> : vector<2000xf32>
    %reduce_sum3A_42 = vector.multi_reduction <add>, %add3A_41, %reduce_sum3A [1] : vector<2000x128xf32> to vector<2000xf32>
    %broadcast_in_dim3A = vector.shape_cast %reduce_sum3A_42 : vector<2000xf32> to vector<2000x1xf32>
    %div3A = arith.constant 1.280000e+02 : f32
    %div3A_43 = vector.broadcast %div3A : f32 to vector<2000x1xf32>
    %div3A_44 = arith.divf %broadcast_in_dim3A, %div3A_43 : vector<2000x1xf32>
    %sub3A = vector.broadcast %div3A_44 : vector<2000x1xf32> to vector<2000x128xf32>
    %sub3A_45 = arith.subf %add3A_41, %sub3A : vector<2000x128xf32>
    %integer_pow3A = arith.mulf %sub3A_45, %sub3A_45 : vector<2000x128xf32>
    %reduce_sum3A_46 = arith.constant dense<0.000000e+00> : vector<2000xf32>
    %reduce_sum3A_47 = vector.multi_reduction <add>, %integer_pow3A, %reduce_sum3A_46 [1] : vector<2000x128xf32> to vector<2000xf32>
    %broadcast_in_dim3A_48 = vector.shape_cast %reduce_sum3A_47 : vector<2000xf32> to vector<2000x1xf32>
    %div3A_49 = arith.constant 1.280000e+02 : f32
    %div3A_50 = vector.broadcast %div3A_49 : f32 to vector<2000x1xf32>
    %div3A_51 = arith.divf %broadcast_in_dim3A_48, %div3A_50 : vector<2000x1xf32>
    %sub3A_52 = vector.broadcast %div3A_44 : vector<2000x1xf32> to vector<2000x128xf32>
    %sub3A_53 = arith.subf %add3A_41, %sub3A_52 : vector<2000x128xf32>
    %add3A_54 = arith.constant 9.99999974E-6 : f32
    %add3A_55 = vector.broadcast %add3A_54 : f32 to vector<2000x1xf32>
    %add3A_56 = arith.addf %div3A_51, %add3A_55 : vector<2000x1xf32>
    %rsqrt3A = math.rsqrt %add3A_56 : vector<2000x1xf32>
    %mul3A_57 = vector.broadcast %rsqrt3A : vector<2000x1xf32> to vector<2000x128xf32>
    %mul3A_58 = arith.mulf %sub3A_53, %mul3A_57 : vector<2000x128xf32>
    %get3A_59 = arith.constant 0 : index
    %get3A_60 = arith.constant 0 : index
    %get3A_61 = vector.load %arg7[%get3A_59, %get3A_60] : memref<1x128xf32, #tpu.memory_space<vmem>>, vector<1x128xf32>
    %mul3A_62 = vector.broadcast %get3A_61 : vector<1x128xf32> to vector<2000x128xf32>
    %mul3A_63 = arith.mulf %mul3A_58, %mul3A_62 : vector<2000x128xf32>
    %get3A_64 = arith.constant 0 : index
    %get3A_65 = arith.constant 0 : index
    %get3A_66 = vector.load %arg8[%get3A_64, %get3A_65] : memref<1x128xf32, #tpu.memory_space<vmem>>, vector<1x128xf32>
    %add3A_67 = vector.broadcast %get3A_66 : vector<1x128xf32> to vector<2000x128xf32>
    %add3A_68 = arith.addf %mul3A_63, %add3A_67 : vector<2000x128xf32>
    %add3A_69 = arith.addf %add3A_68, %get3A_11 : vector<2000x128xf32>
    %swap3A = arith.constant 0 : index
    %swap3A_70 = arith.constant 0 : index
    %swap3A_71 = vector.load %arg9[%swap3A, %swap3A_70] : memref<2000x128xf32, #tpu.memory_space<vmem>>, vector<2000x128xf32>
    tpu.vector_store %arg9[%swap3A, %swap3A_70], %add3A_69 {strides = array<i32>} : memref<2000x128xf32, #tpu.memory_space<vmem>>, vector<2000x128xf32>,
    return
  }
  func.func @transform_0(%arg0: i32) -> (i32, i32, i32) {
    %c0_i32 = arith.constant 0 : i32
    %c0_i32_0 = arith.constant 0 : i32
    %c0_i32_1 = arith.constant 0 : i32
    return %c0_i32, %arg0, %c0_i32_0 : i32, i32, i32
  }
  func.func @transform_1(%arg0: i32) -> (i32, i32) {
    %c0_i32 = arith.constant 0 : i32
    %c0_i32_0 = arith.constant 0 : i32
    return %arg0, %c0_i32 : i32, i32
  }
  func.func @transform_2(%arg0: i32) -> (i32, i32) {
    %c0_i32 = arith.constant 0 : i32
    %c0_i32_0 = arith.constant 0 : i32
    %c0_i32_1 = arith.constant 0 : i32
    return %c0_i32, %c0_i32_0 : i32, i32
  }
  func.func @transform_3(%arg0: i32) -> (i32, i32) {
    %c0_i32 = arith.constant 0 : i32
    %c0_i32_0 = arith.constant 0 : i32
    %c0_i32_1 = arith.constant 0 : i32
    return %c0_i32, %c0_i32_0 : i32, i32
  }
  func.func @transform_4(%arg0: i32) -> (i32, i32) {
    %c0_i32 = arith.constant 0 : i32
    %c0_i32_0 = arith.constant 0 : i32
    %c0_i32_1 = arith.constant 0 : i32
    return %c0_i32, %c0_i32_0 : i32, i32
  }
  func.func @transform_5(%arg0: i32) -> (i32, i32) {
    %c0_i32 = arith.constant 0 : i32
    %c0_i32_0 = arith.constant 0 : i32
    %c0_i32_1 = arith.constant 0 : i32
    return %c0_i32, %c0_i32_0 : i32, i32
  }
  func.func @transform_6(%arg0: i32) -> (i32, i32) {
    %c0_i32 = arith.constant 0 : i32
    %c0_i32_0 = arith.constant 0 : i32
    %c0_i32_1 = arith.constant 0 : i32
    return %c0_i32, %c0_i32_0 : i32, i32
  }
  func.func @transform_7(%arg0: i32) -> (i32, i32) {
    %c0_i32 = arith.constant 0 : i32
    %c0_i32_0 = arith.constant 0 : i32
    %c0_i32_1 = arith.constant 0 : i32
    return %c0_i32, %c0_i32_0 : i32, i32
  }
  func.func @transform_8(%arg0: i32) -> (i32, i32) {
    %c0_i32 = arith.constant 0 : i32
    %c0_i32_0 = arith.constant 0 : i32
    return %arg0, %c0_i32 : i32, i32
  }
}

</mosaic_0001>

<sc_bundles>
// kernel: kernel.4.cloned.1.call-start
scs
__scs_entry_jumppad:
0x0: {  	(pc) =	sbr.rel $0x88, $3  }
0x1: {  	(tag) =	ssettag $0x0;
	lr =	simm.s32 $0x1  }
0x2: {  	[smem:$0x3F98] =	sst lr;
	_ =	strace $0xD0000000  }
0x3: {  	_ = 	snop  }
0x4: {  	_ = 	snop  }
0x5: {  	_ = 	snop  }
0x6: {  	_ = 	snop  }
0x7: {  	_ = 	snop  }
__scs_overlays_trampoline_lowered:
0x8: {  	[smem:$0x3FA7] =	sst s0  }
0x9: {  	[smem:$0x3FA8] =	sst s1  }
0xa: {  	[smem:$0x3FA9] =	sst s2  }
0xb: {  	[smem:$0x3FAA] =	sst s3  }
0xc: {  	[smem:$0x3FAB] =	sst s4  }
0xd: {  	[smem:$0x3FAC] =	sst s5  }
0xe: {  	[smem:$0x3FAD] =	sst s6  }
0xf: {  	[smem:$0x3FAE] =	sst s7  }
0x10: {  	[smem:$0x3FAF] =	sst s8  }
0x11: {  	[smem:$0x3FB0] =	sst s9;
	s0 =	simm.s32 @!p0 $0x0  }
0x12: {  	s1 =	sld [smem:$0x3F96];
	s0 =	simm.s32 @p0 $0x1  }
0x13: {  	[smem:$0x3FB1] =	sst s0;
	s0 =	simm.s32 @!p1 $0x0  }
0x14: {  	s2 =	sld [smem:$0x3F95];
	s0 =	simm.s32 @p1 $0x1  }
0x15: {  	[smem:$0x3FB2] =	sst s0;
	s0 =	simm.s32 @!p2 $0x0  }
0x16: {  	s3 =	sld [smem:$0x3FDB];
	s0 =	simm.s32 @p2 $0x1  }
0x17: {  	s4 =	simm.s32 $0x1BF5;
	[smem:$0x3FB4] =	sst s0  }
0x18: {  	s0 =	sld [smem:$0x3F97];
	_ =	swait.ge [sflag:s4], $0x0  }
0x19: {  	s7 =	sld [smem:$0x3F98]  }
0x1a: {  	s8 =	sadd.s32 $0xFFFFE003, lr  }
0x1b: {  	s9 =	sadd.s32 $0xFFFFFEF7, lr;
	s5 =	simm.s32 $0xFFFFFFFF;
	p2 =	slt.u32 s8, $0xFFFFF086  }
0x1c: {  	p1 =	slt.u32 s9, $0xF7A;
	s5 =	simm.s32 @!p2 $0x0  }
0x1d: {  	s5 =	simm.s32 @p1 $0x1;
	p0 =	seq.s32 s7, s2  }
0x1e: {  	s7 =	smul.u32 @!p0 $0xF7A, s2;
	p2 =	seq.s32 @!p0 s5, $0x0  }
0x1f: {  	s9 =	smul.u32 $0xF7A, s1;
	s8 =	simm.s32 @!p0 $0x1BF5;
	p2 =	por !p2, p0  }
0x20: {  	[sflag:s8] =	ssyncset.s32 @!p0 $0xFFFFF086;
	s6 =	sadd.s32 @!p0 s3, s7;
	s7 =	simm.s32 @!p0 $0x108  }
0x21: {  	s3 =	sadd.s32 s3, s9;
	s6 =	sadd.s32 @!p0 $0x88, s6;
	s7 =	simm.s32 @p2 $0x1082  }
0x22: {  	[simem:s7], [sflag:s8] =	dma.local @!p0 [hbm:s6], $0xF7A  }
0x23: {  	s9 =	sor.u32 $0xD0000000, s2;
	s6 =	simm.s32 $0x108;
	_ =	swait.ge @!p0 [sflag:s8], $0x0  }
0x24: {  	s3 =	sadd.s32 $0x88, s3;
	s6 =	simm.s32 @!p1 $0x1082;
	[sflag:s4] =	ssyncset.s32 $0xFFFFF086  }
0x25: {  	[simem:s6], [sflag:s4] =	dma.local [hbm:s3], $0xF7A  }
0x26: {  	[smem:$0x3F98] =	sst s1;
	(tag) =	ssettag s2;
	_ =	strace s9  }
0x27: {  	s1 =	sld [smem:$0x3FA8]  }
0x28: {  	s2 =	sld [smem:$0x3FA9]  }
0x29: {  	s4 =	sld [smem:$0x3FAB]  }
0x2a: {  	p0 =	seq.s32 s5, $0x0;
	s5 =	sld [smem:$0x3FAC]  }
0x2b: {  	s6 =	sld [smem:$0x3FAD]  }
0x2c: {  	s7 =	sld [smem:$0x3FAE]  }
0x2d: {  	s3 =	simm.s32 $0x108;
	s8 =	sld [smem:$0x3FAF]  }
0x2e: {  	s3 =	simm.s32 @!p0 $0x1082;
	s9 =	sld [smem:$0x3FB0]  }
0x2f: {  	lr =	sadd.s32 s0, s3;
	s0 =	sld [smem:$0x3FA7]  }
0x30: {  	s3 =	sld [smem:$0x3FAA]  }
0x31: {  	[smem:$0x3FB3] =	sst s10  }
0x32: {  	s10 =	sld [smem:$0x3FB1];
	_ =	sdelay $0x3  }
0x33: {  	p0 =	seq.s32 s10, $0x1;
	s10 =	sld [smem:$0x3FB3];
	_ =	sdelay $0x3  }
0x34: {  	[smem:$0x3FB3] =	sst s10  }
0x35: {  	s10 =	sld [smem:$0x3FB2];
	_ =	sdelay $0x3  }
0x36: {  	p1 =	seq.s32 s10, $0x1;
	s10 =	sld [smem:$0x3FB3];
	_ =	sdelay $0x3  }
0x37: {  	[smem:$0x3FB3] =	sst s10  }
0x38: {  	s10 =	sld [smem:$0x3FB4]  }
0x39: {  	_ = 	snop;
	(pc) =	sbr.ind lr, $3  }
0x3a: {  	_ = 	snop  }
0x3b: {  	_ = 	snop  }
0x3c: {  	p2 =	seq.s32 s10, $0x1;
	s10 =	sld [smem:$0x3FB3]  }
0x3d: {  	_ =	shalt  }
0x3e: {  	_ =	shalt  }
0x3f: {  	_ =	shalt  }
0x40: {  	_ =	shalt  }
0x41: {  	_ =	shalt  }
0x42: {  	_ =	shalt  }
0x43: {  	_ =	shalt  }
0x44: {  	_ =	shalt  }
0x45: {  	_ =	shalt  }
0x46: {  	_ =	shalt  }
0x47: {  	_ =	shalt  }
0x48: {  	_ =	shalt  }
0x49: {  	_ =	shalt  }
0x4a: {  	_ =	shalt  }
0x4b: {  	_ =	shalt  }
0x4c: {  	_ =	shalt  }
0x4d: {  	_ =	shalt  }
0x4e: {  	_ =	shalt  }
0x4f: {  	_ =	shalt  }
0x50: {  	_ =	shalt  }
0x51: {  	_ =	shalt  }
0x52: {  	_ =	shalt  }
0x53: {  	_ =	shalt  }
0x54: {  	_ =	shalt  }
0x55: {  	_ =	shalt  }
0x56: {  	_ =	shalt  }
0x57: {  	_ =	shalt  }
0x58: {  	_ =	shalt  }
0x59: {  	_ =	shalt  }
0x5a: {  	_ =	shalt  }
0x5b: {  	_ =	shalt  }
0x5c: {  	_ =	shalt  }
0x5d: {  	_ =	shalt  }
0x5e: {  	_ =	shalt  }
0x5f: {  	_ =	shalt  }
0x60: {  	_ =	shalt  }
0x61: {  	_ =	shalt  }
0x62: {  	_ =	shalt  }
0x63: {  	_ =	shalt  }
0x64: {  	_ =	shalt  }
0x65: {  	_ =	shalt  }
0x66: {  	_ =	shalt  }
0x67: {  	_ =	shalt  }
0x68: {  	_ =	shalt  }
0x69: {  	_ =	shalt  }
0x6a: {  	_ =	shalt  }
0x6b: {  	_ =	shalt  }
0x6c: {  	_ =	shalt  }
0x6d: {  	_ =	shalt  }
0x6e: {  	_ =	shalt  }
0x6f: {  	_ =	shalt  }
0x70: {  	_ =	shalt  }
0x71: {  	_ =	shalt  }
0x72: {  	_ =	shalt  }
0x73: {  	_ =	shalt  }
0x74: {  	_ =	shalt  }
0x75: {  	_ =	shalt  }
0x76: {  	_ =	shalt  }
0x77: {  	_ =	shalt  }
0x78: {  	_ =	shalt  }
0x79: {  	_ =	shalt  }
0x7a: {  	_ =	shalt  }
0x7b: {  	_ =	shalt  }
0x7c: {  	_ =	shalt  }
0x7d: {  	_ =	shalt  }
0x7e: {  	_ =	shalt  }
0x7f: {  	_ =	shalt  }
0x80: {  	_ =	shalt  }
0x81: {  	_ =	shalt  }
0x82: {  	_ =	shalt  }
0x83: {  	_ =	shalt  }
0x84: {  	_ =	shalt  }
0x85: {  	_ =	shalt  }
0x86: {  	_ =	shalt  }
0x87: {  	_ =	shalt  }
.Lfunc_end0:
.L_simem_size_0:
called_computation_lowered:
.L_overlay_start_0:
0x88: {  	s2 =	sld [smem:$0x3FD9]  }
0x89: {  	s3 =	sld [smem:$0x3FFE];
	_ =	sdelay $0x1  }
0x8a: {  	s1 =	srdreg.scid  }
0x8b: {  	s0 =	sand.u32 $0x1, s1  }
0x8c: {  	s14 =	sshll.u32 s0, $0xA;
	s2 =	sadd.s32 s3, s2  }
0x8d: {  	s2 =	sadd.s32 s2, s14  }
0x8e: {  	[smem:$0x3FBF] =	sst s2  }
0x8f: {  	_ = 	snop  }
0x90: {  	s2 =	sld [smem:$0x3FD0];
	_ =	sdelay $0x2  }
0x91: {  	s4 =	simm.s32 $0xA;
	s5 =	simm.s32 $0x10;
	s15 =	sld [smem:$0x3FC9]  }
0x92: {  	[smem:s5], [sflag:s4] =	dma.local [hbm:s2], $0x1  }
0x93: {  	_ =	swait.eq [sflag:s4], $0x1  }
0x94: {  	[sflag:s4] =	ssyncset.done $0x0  }
0x95: {  	s16 =	sld [smem:$0x10];
	[sflag:s4] =	ssyncadd.s32 $0xFFFFFFFF  }
0x96: {  	s17 =	sld [smem:$0x11];
	(tm) =	ssettm $0x1  }
0x97: {  	s18 =	sld [smem:$0x3FFB];
	_ =	sdelay $0x3  }
0x98: {  	_ =	strace s18  }
0x99: {  	s5 =	sld [smem:$0x3FFC];
	_ =	sdelay $0x3  }
0x9a: {  	_ =	strace s5  }
0x9b: {  	s5 =	sld [smem:$0x3FFD];
	_ =	sdelay $0x3  }
0x9c: {  	_ =	strace s5  }
0x9d: {  	_ =	strace $0x8FFFFFFF  }
0x9e: {  	s19 =	sld [smem:$0x3FDB];
	_ =	sdelay $0x1  }
0x9f: {  	s6 =	simm.s32 $_scs_section_size  }
0xa0: {  	s7 =	simm.s32 $_size__tile_overlayer_lowered;
	s8 =	simm.s32 $_tile_overlayer_lowered  }
0xa1: {  	s22 =	simm.s32 $0x1BFF;
	s21 =	sshll.u32 s8, $0x1;
	s5 =	sadd.s32 s6, s19  }
0xa2: {  	s9 =	simm.s32 $0x0;
	s20 =	sshll.u32 s7, $0x1;
	s7 =	sadd.s32 s21, s5  }
0xa3: {  	[timem:s9], [sflag:s22] =	dma.local [hbm:s7], s20  }
0xa4: {  	_ =	swait.ge [sflag:s22], s20  }
0xa5: {  	s6 =	ssub.s32 $0x0, s20;
	[sflag:s22] =	ssyncset.done $0x0  }
0xa6: {  	[sflag:s22] =	ssyncadd.s32 s6;
	_ =	sdelay $0x1  }
0xa7: {  	s23 =	simm.s32 $0x1B8B  }
0xa8: {  	_ =	swait.ge [sflag:s23], $0x1  }
0xa9: {  	[sflag:s23] =	ssyncset.done $0x0  }
0xaa: {  	s25 =	simm.s32 $0x1B8E;
	s24 =	sld [smem:$0x3FFE];
	[sflag:s23] =	ssyncadd.s32 $0xFFFFFFFF  }
0xab: {  	s26 =	simm.s32 $execute0_lowered;
	[smem:$0x3FD2] =	sst s25  }
0xac: {  	s7 =	sshll.u32 s26, $0x1;
	_ =	strace $0x80000046;
	[dreg:$0x1] =	wrdreg $0xFFFFFFFF  }
0xad: {  	s28 =	simm.s32 $_size_execute0_lowered;
	s5 =	sadd.s32 s5, s7;
	[dreg:$0x0] =	wrdreg $0x0  }
0xae: {  	s7 =	sshll.u32 s28, $0x1;
	[dreg:$0x2] =	wrdreg s5  }
0xaf: {  	[dreg:$0x3] =	wrdreg s7  }
0xb0: {  	[dreg:$0x4] =	wrdreg $0xC0  }
0xb1: {  	_ =	task [dreg:s9], $0x5FFFF  }
0xb2: {  	[dreg:$0x1] =	wrdreg $0xFFFFFFFF  }
0xb3: {  	[dreg:$0x0] =	wrdreg $0x60  }
0xb4: {  	[dreg:$0x2] =	wrdreg s15  }
0xb5: {  	[dreg:$0x3] =	wrdreg s17  }
0xb6: {  	[dreg:$0x4] =	wrdreg s24  }
0xb7: {  	[dreg:$0x5] =	wrdreg s16  }
0xb8: {  	[dreg:$0x6] =	wrdreg $0xA8000  }
0xb9: {  	[dreg:$0x7] =	wrdreg $0x9  }
0xba: {  	_ =	task.clear_ibuf [dreg:s9], $0x8FFFF;
	_ =	strace $0x90000046  }
0xbb: {  	s29 =	simm.s32 $0x9;
	_ =	strace $0x80000048  }
0xbc: {  	_ =	swait.ge [sflag:s29], $0x1  }
0xbd: {  	[sflag:s29] =	ssyncadd.s32 $0xFFFFFFFF  }
0xbe: {  	_ =	strace $0x90000048  }
0xbf: {  	_ =	sfence  }
0xc0: {  	s30 =	sld [smem:$0x0];
	_ =	sdelay $0x2  }
0xc1: {  	s31 =	sshll.u32 s1, $0xD;
	s1 =	sshrl.u32 s1, $0x2  }
0xc2: {  	s3 =	sand.u32 $0x4000, s31;
	s1 =	sadd.s32 s1, s30  }
0xc3: {  	s0 =	sor.u32 s3, s0;
	s1 =	sshll.u32 s1, $0x11  }
0xc4: {  	s0 =	sor.u32 s1, s0  }
0xc5: {  	s0 =	sadd.s32 $0x8F2B, s0  }
0xc6: {  	[sflag:s0] =	ssyncadd.remote.s32 $0x1  }
0xc7: {  	_ =	sfence.sel $0xFFFF  }
0xc8: {  	[dreg:$0x0] =	wrdreg $0xFFFFFFFF;
	(pc) =	sbr.abs _section_cstart, $3  }
0xc9: {  	[dreg:$0x1] =	wrdreg $0xFFFFFFFF  }
0xca: {  	_ =	task.clear_ibuf [dreg:s9], $0x2FFFF;
	_ =	strace $0x9FFFFFFF  }
0xcb: {  	(tm) =	ssettm $0x7FFFFFFF  }
tec
execute0_lowered:
.L_overlay_start_1:
0x0: {  	(tag) =	ssettag $0x1  }
0x1: {  	s0 =	rddreg [dreg:$0x0]  }
0x2: {  	s1 =	rddreg [dreg:$0x1]  }
0x3: {  	s5 =	rddreg [dreg:$0x2]  }
0x4: {  	s15 =	rddreg [dreg:$0x3];
	s19 =	stileid.u32  }
0x5: {  	s2 =	rddreg [dreg:$0x4];
	s6 =	smul.u32 $0x14000, s19  }
0x6: {  	s3 =	srdreg.scid;
	s22 =	smul.u32 $0x50000, s19  }
0x7: {  	s30 =	simm.s32 $0x0;
	s12 =	sand.u32 $0x1, s3;
	s28 =	smul.u32 $0x27100, s19  }
0x8: {  	s3 =	simm.s32 $0x0;
	s18 =	sadd.s32 $0x1A00, s5;
	s4 =	smul.u32 $0x140000, s12  }
0x9: {  	s7 =	sshll.u32 s12, $0x4;
	[smem:$0x7FF] =	sst s3;
	s16 =	smul.u32 $0x1388000, s12  }
0xa: {  	s20 =	ssub.s32 $0x2, s12;
	s26 =	smul.u32 $0x271000, s12;
	s7 =	sor.u32 s19, s7  }
0xb: {  	_ =	strace $0x80000047;
	[dreg:$0x6] =	wrdreg s18;
	s18 =	smul.u32 $0x138800, s19  }
0xc: {  	s21 =	sshrl.u32 s20, $0x1;
	s24 =	sshrl.u32 s22, $0x2;
	s8 =	smul.u32 $0x27100, s7  }
0xd: {  	s19 =	simm.s32 $0x6800;
	s22 =	simm.s32 $0x80;
	s9 =	smul.u32 $0x138800, s7  }
0xe: {  	s6 =	sadd.s32 s6, s4;
	s7 =	smul.u32 $0x500, s7;
	s14 =	ssub.s32 s20, s21  }
0xf: {  	s29 =	sadd.s32 s26, s15;
	s20 =	simm.s32 $0x5;
	s21 =	simm.s32 $0x1  }
0x10: {  	s6 =	sshrl.u32 s6, $0x3;
	s14 =	smax.u32 s14, $0x1;
	s16 =	sadd.s32 s18, s16  }
0x11: {  	s31 =	sadd.s32 s28, s29;
	s18 =	simm.s32 $0x2800;
	s13 =	sadd.s32 s6, s5  }
0x12: {  	s10 =	sshrl.u32 s9, $0x3;
	s5 =	sadd.s32 s0, s8;
	s7 =	sadd.s32 s1, s7  }
0x13: {  	s8 =	sadd.s32 s24, s2;
	s16 =	sshrl.u32 s16, $0x3;
	s24 =	simm.s32 $0x2  }
0x14: {  	s23 =	sadd.s32 s0, s10;
	s25 =	sadd.s32 s15, s10;
	s17 =	sadd.s32 $0x27000, s10  }
0x15: {  	s13 =	sadd.s32 $0x4200, s13;
	s6 =	sadd.s32 $0x800, s23;
	s9 =	sadd.s32 $0x26000, s25  }
0x16: {  	s10 =	sadd.s32 s0, s17;
	s11 =	sadd.s32 $0x26800, s25;
	s12 =	sadd.s32 s15, s17  }
0x17: {  	s0 =	sadd.s32 s26, s0;
	s15 =	sadd.s32 s16, s15;
	s17 =	sadd.s32 $0x800, s31  }
0x18: {  	s23 =	simm.s32 $0x3;
	s25 =	simm.s32 $0x4;
	s16 =	sadd.s32 s28, s0  }
.LBB2_1:
0x19: {  	[tilespmem:s18], [sflag:$0x1] =	stream.linear.gather [hbm4b:s5+s3], $0x4000, $0x38;
	[tilespmem:$0x1E800] =	vst v63  }
0x1a: {  	_ = 	snop  }
0x1b: {  	[tilespmem:s19], [sflag:$0x2] =	stream.linear.gather [hbm4b:s6+s3], $0x4000, $0x38;
	[tilespmem:$0x1E800] =	vst v63  }
0x1c: {  	s0 =	stileid.u32  }
0x1d: {  	[tilespmem:s3], [sflag:$0x5] =	stream.linear.gather [hbm4b:s7+s3], $0x2780, $0x38;
	[tilespmem:$0x1E800] =	vst v63  }
0x1e: {  	s0 =	sshll.u32 s0, $0x6;
	_ =	swait.ge [sflag:s20], $0x2780  }
0x1f: {  	s31 =	sor.u32 $0x1C05, s0;
	[sflag:s20] =	ssyncset.done $0x0  }
0x20: {  	s0 =	sshrl.u32 s8, $0x3;
	s1 =	rddreg [dreg:$0x6];
	[sflag:s20] =	ssyncadd.s32 $0xFFFFD880  }
0x21: {  	[spmem:s0], [sflag:s31] =	dma.local [hbm:s1], $0x2800  }
0x22: {  	_ =	swait.ge [sflag:s20], $0x2800  }
0x23: {  	[sflag:s20] =	ssyncset.done $0x0  }
0x24: {  	[sflag:s20] =	ssyncadd.s32 $0xFFFFD800  }
0x25: {  	[bflag:$0x0] =	sbarrier.arrive $0xFFFF  }
0x26: {  	_ =	swait.ge [sflag:s21], $0x4000  }
0x27: {  	[sflag:s21] =	ssyncset.done $0x0  }
0x28: {  	s26 =	sadd.s32 $0x0, s15;
	[sflag:s21] =	ssyncadd.s32 $0xFFFFC000  }
0x29: {  	[hbm4b:s26+s3] =	stream.linear.scatter [tilespmem:s18], [sflag:$0x3], $0x4000, $0x38;
	[tilespmem:$0x1E800] =	vst v63  }
0x2a: {  	_ = 	snop  }
0x2b: {  	[spmem:s2] =	stream.indirect.scatter.add.f32 [tilespmem:s18], [sflag:$0x5], $0x80, s3, s22, $0xb8;
	[tilespmem:$0x1E800] =	vst v63  }
0x2c: {  	_ =	swait.ge [sflag:s20], $0x4000  }
0x2d: {  	[sflag:s20] =	ssyncset.done $0x0  }
0x2e: {  	[sflag:s20] =	ssyncadd.s32 $0xFFFFC000  }
0x2f: {  	_ =	swait.ge [sflag:s23], $0x4000  }
0x30: {  	s26 =	sadd.s32 $0x0, s16;
	[sflag:s23] =	ssyncset.done $0x0  }
0x31: {  	s29 =	sadd.s32 $0x1000, s26;
	[sflag:s23] =	ssyncadd.s32 $0xFFFFC000  }
0x32: {  	[tilespmem:s18], [sflag:$0x1] =	stream.linear.gather [hbm4b:s29+s3], $0x4000, $0x38;
	[tilespmem:$0x1E800] =	vst v63  }
0x33: {  	_ =	swait.ge [sflag:s24], $0x4000  }
0x34: {  	[sflag:s24] =	ssyncset.done $0x0  }
0x35: {  	s4 =	sadd.s32 $0x0, s17;
	[sflag:s24] =	ssyncadd.s32 $0xFFFFC000  }
0x36: {  	[hbm4b:s4+s3] =	stream.linear.scatter [tilespmem:s19], [sflag:$0x4], $0x4000, $0x38;
	[tilespmem:$0x1E800] =	vst v63  }
0x37: {  	s29 =	simm.s32 $0x80  }
0x38: {  	[spmem:s2] =	stream.indirect.scatter.add.f32 [tilespmem:s19], [sflag:$0x5], $0x80, s29, s22, $0xb8;
	[tilespmem:$0x1E800] =	vst v63  }
0x39: {  	_ =	swait.ge [sflag:s20], $0x4000  }
0x3a: {  	[sflag:s20] =	ssyncset.done $0x0  }
0x3b: {  	[sflag:s20] =	ssyncadd.s32 $0xFFFFC000  }
0x3c: {  	_ =	swait.ge [sflag:s25], $0x4000  }
0x3d: {  	s1 =	simm.s32 $0x1000;
	[sflag:s25] =	ssyncset.done $0x0  }
0x3e: {  	s28 =	sadd.s32 $0x1800, s26;
	s26 =	simm.s32 $0x100;
	[sflag:s25] =	ssyncadd.s32 $0xFFFFC000  }
.LBB2_2:
0x3f: {  	[tilespmem:s19], [sflag:$0x2] =	stream.linear.gather [hbm4b:s28+s3], $0x4000, $0x38;
	[tilespmem:$0x1E800] =	vst v63  }
0x40: {  	s28 =	smov.u32 s1  }
0x41: {  	p0 =	sne.s32 s1, $0x25000;
	s1 =	sadd.s32 $0x1000, s1;
	_ =	swait.ge [sflag:s21], $0x4000  }
0x42: {  	[sflag:s21] =	ssyncset.done $0x0  }
0x43: {  	s29 =	sadd.s32 s28, s15;
	[sflag:s21] =	ssyncadd.s32 $0xFFFFC000  }
0x44: {  	[hbm4b:s29+s3] =	stream.linear.scatter [tilespmem:s18], [sflag:$0x3], $0x4000, $0x38;
	[tilespmem:$0x1E800] =	vst v63  }
0x45: {  	_ = 	snop  }
0x46: {  	[spmem:s2] =	stream.indirect.scatter.add.f32 [tilespmem:s18], [sflag:$0x5], $0x80, s26, s22, $0xb8;
	[tilespmem:$0x1E800] =	vst v63  }
0x47: {  	_ =	swait.ge [sflag:s20], $0x4000  }
0x48: {  	[sflag:s20] =	ssyncset.done $0x0  }
0x49: {  	[sflag:s20] =	ssyncadd.s32 $0xFFFFC000  }
0x4a: {  	_ =	swait.ge [sflag:s23], $0x4000  }
0x4b: {  	s29 =	sadd.s32 s28, s16;
	[sflag:s23] =	ssyncset.done $0x0  }
0x4c: {  	s4 =	sadd.s32 $0x1000, s29;
	[sflag:s23] =	ssyncadd.s32 $0xFFFFC000  }
0x4d: {  	[tilespmem:s18], [sflag:$0x1] =	stream.linear.gather [hbm4b:s4+s3], $0x4000, $0x38;
	[tilespmem:$0x1E800] =	vst v63  }
0x4e: {  	_ =	swait.ge [sflag:s24], $0x4000  }
0x4f: {  	[sflag:s24] =	ssyncset.done $0x0  }
0x50: {  	s4 =	sadd.s32 s28, s17;
	[sflag:s24] =	ssyncadd.s32 $0xFFFFC000  }
0x51: {  	[hbm4b:s4+s3] =	stream.linear.scatter [tilespmem:s19], [sflag:$0x4], $0x4000, $0x38;
	[tilespmem:$0x1E800] =	vst v63  }
0x52: {  	s4 =	sadd.s32 $0x80, s26  }
0x53: {  	[spmem:s2] =	stream.indirect.scatter.add.f32 [tilespmem:s19], [sflag:$0x5], $0x80, s4, s22, $0xb8;
	[tilespmem:$0x1E800] =	vst v63  }
0x54: {  	_ =	swait.ge [sflag:s20], $0x4000  }
.Ltmp0:
0x55: {  	[sflag:s20] =	ssyncset.done $0x0;
	(pc) =	sbr.rel @p0 .LBB2_2-.Ltmp0, $4  }
0x56: {  	[sflag:s20] =	ssyncadd.s32 $0xFFFFC000  }
0x57: {  	_ =	swait.ge [sflag:s25], $0x4000  }
0x58: {  	[sflag:s25] =	ssyncset.done $0x0  }
0x59: {  	s28 =	sadd.s32 $0x1800, s29;
	s26 =	sadd.s32 $0x100, s26;
	[sflag:s25] =	ssyncadd.s32 $0xFFFFC000  }
0x5a: {  	[tilespmem:s19], [sflag:$0x2] =	stream.linear.gather [hbm4b:s28+s3], $0x4000, $0x38;
	[tilespmem:$0x1E800] =	vst v63  }
0x5b: {  	_ =	swait.ge [sflag:s21], $0x4000  }
0x5c: {  	[sflag:s21] =	ssyncset.done $0x0  }
0x5d: {  	[sflag:s21] =	ssyncadd.s32 $0xFFFFC000  }
0x5e: {  	[hbm4b:s9+s3] =	stream.linear.scatter [tilespmem:s18], [sflag:$0x3], $0x4000, $0x38;
	[tilespmem:$0x1E800] =	vst v63  }
0x5f: {  	s1 =	simm.s32 $0x2600  }
0x60: {  	[spmem:s2] =	stream.indirect.scatter.add.f32 [tilespmem:s18], [sflag:$0x5], $0x80, s1, s22, $0xb8;
	[tilespmem:$0x1E800] =	vst v63  }
0x61: {  	_ =	swait.ge [sflag:s20], $0x4000  }
0x62: {  	[sflag:s20] =	ssyncset.done $0x0  }
0x63: {  	[sflag:s20] =	ssyncadd.s32 $0xFFFFC000  }
0x64: {  	_ =	swait.ge [sflag:s23], $0x4000  }
0x65: {  	[sflag:s23] =	ssyncset.done $0x0  }
0x66: {  	[sflag:s23] =	ssyncadd.s32 $0xFFFFC000  }
0x67: {  	[tilespmem:s18], [sflag:$0x1] =	stream.linear.gather [hbm4b:s10+s3], $0x800, $0x38;
	[tilespmem:$0x1E800] =	vst v63  }
0x68: {  	_ =	swait.ge [sflag:s24], $0x4000  }
0x69: {  	[sflag:s24] =	ssyncset.done $0x0  }
0x6a: {  	[sflag:s24] =	ssyncadd.s32 $0xFFFFC000  }
0x6b: {  	[hbm4b:s11+s3] =	stream.linear.scatter [tilespmem:s19], [sflag:$0x4], $0x4000, $0x38;
	[tilespmem:$0x1E800] =	vst v63  }
0x6c: {  	s28 =	simm.s32 $0x2680  }
0x6d: {  	[spmem:s2] =	stream.indirect.scatter.add.f32 [tilespmem:s19], [sflag:$0x5], $0x80, s28, s22, $0xb8;
	[tilespmem:$0x1E800] =	vst v63  }
0x6e: {  	_ =	swait.ge [sflag:s20], $0x4000  }
0x6f: {  	[sflag:s20] =	ssyncset.done $0x0  }
0x70: {  	[sflag:s20] =	ssyncadd.s32 $0xFFFFC000  }
0x71: {  	_ =	swait.ge [sflag:s25], $0x4000  }
0x72: {  	[sflag:s25] =	ssyncset.done $0x0  }
0x73: {  	[sflag:s25] =	ssyncadd.s32 $0xFFFFC000  }
0x74: {  	_ =	swait.ge [sflag:s21], $0x800  }
0x75: {  	[sflag:s21] =	ssyncset.done $0x0  }
0x76: {  	[sflag:s21] =	ssyncadd.s32 $0xFFFFF800  }
0x77: {  	[hbm4b:s12+s3] =	stream.linear.scatter [tilespmem:s18], [sflag:$0x3], $0x800, $0x38;
	[tilespmem:$0x1E800] =	vst v63  }
0x78: {  	s29 =	simm.s32 $0x2700  }
0x79: {  	[spmem:s2] =	stream.indirect.scatter.add.f32 [tilespmem:s18], [sflag:$0x5], $0x80, s29, s22, $0xb8;
	[tilespmem:$0x1E800] =	vst v63  }
0x7a: {  	_ =	swait.ge [sflag:s20], $0x4000  }
0x7b: {  	[sflag:s20] =	ssyncset.done $0x0  }
0x7c: {  	[sflag:s20] =	ssyncadd.s32 $0xFFFFC000  }
0x7d: {  	_ =	swait.ge [sflag:s23], $0x800  }
0x7e: {  	s30 =	sadd.s32 $0x1, s30;
	[sflag:s23] =	ssyncset.done $0x0  }
0x7f: {  	p0 =	sne.s32 s30, s14;
	[sflag:s23] =	ssyncadd.s32 $0xFFFFF800  }
.Ltmp1:
0x80: {  	[bflag:$0x0] =	sbarrier.arrive $0xFFFF;
	(pc) =	sbr.rel @p0 .LBB2_1-.Ltmp1, $4  }
0x81: {  	[hbm:s13], [sflag:s31] =	dma.local [spmem:s0], $0x2800  }
0x82: {  	_ =	swait.ge [sflag:s20], $0x2800  }
0x83: {  	[sflag:s20] =	ssyncset.done $0x0  }
0x84: {  	[sflag:s20] =	ssyncadd.s32 $0xFFFFD800  }
0x85: {  	_ =	sfence.sel $0x180000  }
0x86: {  	[bflag:$0x0] =	sbarrier.arrive $0xFFFF  }
0x87: {  	_ =	strace $0x90000047  }
0x88: {  	s0 =	stileid.u32;
	[bflag:$0x2] =	sbarrier.arrive $0xFFFF  }
0x89: {  	p0 =	sne.s32 s0, $0x0;
	s0 =	rddreg [dreg:$0x5]  }
0x8a: {  	s0 =	sadd.s32 @!p0 $0x100000, s0  }
0x8b: {  	[sflag:s0] =	ssyncadd.tile.s32 @!p0 $0x1;
	_ =	shalt  }
.Lfunc_end2:
_tile_overlayer_lowered:
.L_overlay_start_2:
0x8c: {  	(tag) =	ssettag $0x2  }
0x8d: {  	s0 =	rddreg [dreg:$0x0];
	s2 =	stileid.u32  }
0x8e: {  	s1 =	rddreg [dreg:$0x1];
	p0 =	sne.s32 s2, $0x0  }
0x8f: {  	s3 =	rddreg [dreg:$0x2];
	[bflag:$0x3] =	sbarrier.arrive $0xFFFF;
	s2 =	simm.s32 @!p0 $0x1C05  }
0x90: {  	[timem:s3], [sflag:s2] =	dma.local @!p0 [hbm:s0], s1  }
0x91: {  	s0 =	simm.s32 @!p0 $0x5  }
0x92: {  	_ =	swait.ge @!p0 [sflag:s0], s1  }
0x93: {  	s1 =	ssub.s32 @!p0 $0x0, s1;
	[sflag:s0] =	ssyncset.done @!p0 $0x0  }
0x94: {  	[sflag:s0] =	ssyncadd.s32 @!p0 s1  }
0x95: {  	[bflag:$0x3] =	sbarrier.arrive $0xFFFF  }
0x96: {  	_ =	shalt  }

</sc_bundles>
